<compile_context>
chip_gen: v7x
topology: tpu7x:2x2x1
jax: 0.10.2.dev20260603
libtpu: 0.0.44.dev20260713+nightly
codegen_flags: <defaults>
</compile_context>

<pallas_src>
import functools
import math

import jax
import jax.numpy as jnp
from jax import lax
from jax.experimental import pallas as pl
from jax.experimental.pallas import tpu as pltpu
from jax.experimental.pallas import tpu_sc as plsc

N = 10000
E = 320000
IN_DIM = 128
EDGE_DIM = 16
HID = 128
OUT = 128
HEADS = 4
D_HEAD = 32

NB = 2000
EB = 1280

NWORK = 32
EW = E // NWORK
CH = 80
NCH = EW // CH
NPAD = 10240
ROWS_PER_TILE = NPAD // 16

_INV_SQRT_DH = 1.0 / math.sqrt(D_HEAD)


def _head_expand():
    lane = lax.broadcasted_iota(jnp.int32, (8, 128), 1) // D_HEAD
    row = lax.broadcasted_iota(jnp.int32, (8, 128), 0)
    return (lane == row).astype(jnp.float32)


def _layernorm_relu(x, g, be):
    mu = jnp.mean(x, axis=1, keepdims=True)
    var = jnp.mean((x - mu) * (x - mu), axis=1, keepdims=True)
    x = (x - mu) / jnp.sqrt(var + 1e-5) * g + be
    return jnp.maximum(x, 0.0)




def _k1_body(h_ref, w1_ref, b1_ref, g_ref, be_ref, w2_ref, b2_ref, out_ref):
    h = h_ref[...]
    x = jnp.dot(h, w1_ref[...], preferred_element_type=jnp.float32) + b1_ref[...]
    x = _layernorm_relu(x, g_ref[...], be_ref[...])
    out_ref[...] = jnp.dot(x, w2_ref[...], preferred_element_type=jnp.float32) + b2_ref[...]


def _k1(h, hq_params):
    w1, b1, g, be, w2, b2 = hq_params
    full = lambda shape: pl.BlockSpec(shape, lambda i: (0, 0))
    return pl.pallas_call(
        _k1_body,
        grid=(N // NB,),
        in_specs=[
            pl.BlockSpec((NB, IN_DIM), lambda i: (i, 0)),
            full((IN_DIM, HID)), full((1, HID)), full((1, HID)), full((1, HID)),
            full((HID, OUT)), full((1, OUT)),
        ],
        out_specs=pl.BlockSpec((NB, OUT), lambda i: (i, 0)),
        out_shape=jax.ShapeDtypeStruct((N, OUT), jnp.float32),
    )(h, w1, b1[None, :], g[None, :], be[None, :], w2, b2[None, :])




def _k2_gather_spmem(table, dst, src):
    mesh = plsc.VectorSubcoreMesh(core_axis_name="c", subcore_axis_name="s")
    two = src is not None
    outs = [jax.ShapeDtypeStruct((E, IN_DIM), jnp.float32)]
    scratch = [
        pltpu.VMEM((CH,), jnp.int32),
        pltpu.VMEM((CH, IN_DIM), jnp.float32),
        pltpu.SemaphoreType.DMA,
        pltpu.VMEM_SHARED((NPAD, IN_DIM), jnp.float32),
    ]
    if two:
        outs = outs + [jax.ShapeDtypeStruct((E, IN_DIM), jnp.float32)]

    @functools.partial(
        pl.kernel,
        out_type=outs,
        mesh=mesh,
        compiler_params=pltpu.CompilerParams(needs_layout_passes=False),
        scratch_types=scratch,
    )
    def gather_kernel(table_hbm, *refs):
        if two:
            dst_hbm, src_hbm, o1_hbm, o2_hbm, ibuf, rbuf, sem, tab = refs
        else:
            dst_hbm, o1_hbm, ibuf, rbuf, sem, tab = refs
        c = lax.axis_index("c")
        s = lax.axis_index("s")
        wid = s * 2 + c
        base0 = wid * EW
        row0 = s * RPT

        @pl.when(s < 15)
        def _():
            pltpu.sync_copy(table_hbm.at[pl.ds(row0, RPT)],
                            tab.at[pl.ds(row0, RPT)])

        @pl.when(s == 15)
        def _():
            pltpu.sync_copy(table_hbm.at[pl.ds(15 * RPT, LAST)],
                            tab.at[pl.ds(15 * RPT, LAST)])

        plsc.subcore_barrier()

        def loop(idx_hbm, out_hbm):
            def body(i, carry):
                base = base0 + i * CH
                pltpu.sync_copy(idx_hbm.at[pl.ds(base, CH)], ibuf)
                pltpu.async_copy(tab.at[ibuf], rbuf, sem).wait()
                pltpu.sync_copy(rbuf, out_hbm.at[pl.ds(base, CH)])
                return carry

            lax.fori_loop(0, NCH, body, 0)

        loop(dst_hbm, o1_hbm)
        if two:
            loop(src_hbm, o2_hbm)

    if two:
        return gather_kernel(table, dst, src)
    return gather_kernel(table, dst)[0]




def _k3_body(hi_ref, hj_ref, qd_ref, ef_ref,
             kw1_ref, kb1_ref, kg_ref, kbe_ref, kw2_ref, kb2_ref,
             vw1_ref, vb1_ref, vg_ref, vbe_ref, vw2_ref, vb2_ref,
             out_ref, ex_ref):
    hi = hi_ref[...]
    qd = qd_ref[...]
    hj = hj_ref[...]
    ef = ef_ref[...]

    def mlp(w1_ref, b1_ref, g_ref, be_ref, w2_ref, b2_ref):
        x = (
            jnp.dot(ef, w1_ref[0:EDGE_DIM, :], preferred_element_type=jnp.float32)
            + jnp.dot(hi, w1_ref[EDGE_DIM:EDGE_DIM + IN_DIM, :],
                      preferred_element_type=jnp.float32)
            + jnp.dot(hj, w1_ref[EDGE_DIM + IN_DIM:, :],
                      preferred_element_type=jnp.float32)
            + b1_ref[...]
        )
        x = _layernorm_relu(x, g_ref[...], be_ref[...])
        return jnp.dot(x, w2_ref[...], preferred_element_type=jnp.float32) + b2_ref[...]

    k = mlp(kw1_ref, kb1_ref, kg_ref, kbe_ref, kw2_ref, kb2_ref)
    v = mlp(vw1_ref, vb1_ref, vg_ref, vbe_ref, vw2_ref, vb2_ref)

    r8 = _head_expand()
    logits = jnp.dot(qd * k, r8.T, preferred_element_type=jnp.float32) * _INV_SQRT_DH
    ex8 = jnp.exp(logits)
    out_ref[...] = v * jnp.dot(ex8, r8, preferred_element_type=jnp.float32)
    ex_ref[...] = ex8


def _k3(ghi, ghj, gq, edge_feat, hk_params, hv_params):
    full = lambda shape: pl.BlockSpec(shape, lambda i: (0, 0))
    kv_in = 2 * IN_DIM + EDGE_DIM
    wspecs = [full((kv_in, HID)), full((1, HID)), full((1, HID)), full((1, HID)),
              full((HID, OUT)), full((1, OUT))]
    args = []
    for p in (hk_params, hv_params):
        w1, b1, g, be, w2, b2 = p
        args += [w1, b1[None, :], g[None, :], be[None, :], w2, b2[None, :]]
    return pl.pallas_call(
        _k3_body,
        grid=(E // EB,),
        in_specs=[
            pl.BlockSpec((EB, IN_DIM), lambda i: (i, 0)),
            pl.BlockSpec((EB, IN_DIM), lambda i: (i, 0)),
            pl.BlockSpec((EB, IN_DIM), lambda i: (i, 0)),
            pl.BlockSpec((EB, EDGE_DIM), lambda i: (i, 0)),
        ] + wspecs + wspecs,
        out_specs=[
            pl.BlockSpec((EB, OUT), lambda i: (i, 0)),
            pl.BlockSpec((EB, 8), lambda i: (i, 0)),
        ],
        out_shape=[
            jax.ShapeDtypeStruct((E, OUT), jnp.float32),
            jax.ShapeDtypeStruct((E, 8), jnp.float32),
        ],
    )(ghi, ghj, gq, edge_feat, *args)




RPT = NPAD // 16
LAST = N - 15 * RPT


def _k4_scatter(w, exf, dst, zw):
    mesh = plsc.VectorSubcoreMesh(core_axis_name="c", subcore_axis_name="s")

    @functools.partial(
        pl.kernel,
        out_type=[
            jax.ShapeDtypeStruct((2 * N, OUT), jnp.float32),
            jax.ShapeDtypeStruct((2 * N, OUT), jnp.float32),
        ],
        mesh=mesh,
        compiler_params=pltpu.CompilerParams(needs_layout_passes=False),
        scratch_types=[
            pltpu.VMEM((CH,), jnp.int32),
            pltpu.VMEM((CH, OUT), jnp.float32),
            pltpu.VMEM((CH * 8 + 16,), jnp.float32),
            pltpu.VMEM((CH, OUT), jnp.float32),
            pltpu.VMEM_SHARED((NPAD, OUT), jnp.float32),
        ],
    )
    def scatter_kernel(w_hbm, exf_hbm, dst_hbm, zw_hbm,
                       out_hbm, sums_hbm, dbuf, wbuf, exbuf, wexbuf, acc):
        c = lax.axis_index("c")
        s = lax.axis_index("s")
        wid = s * 2 + c
        base0 = wid * EW
        row0 = s * RPT
        lane = lax.iota(jnp.int32, 16)
        lane8f = (lane < 8).astype(jnp.float32)

        def zero_acc():
            pltpu.sync_copy(zw_hbm, acc.at[pl.ds(row0, RPT)])

        def writeback(dst_out):
            @pl.when(s < 15)
            def _():
                pltpu.sync_copy(acc.at[pl.ds(row0, RPT)],
                                dst_out.at[pl.ds(c * N + row0, RPT)])

            @pl.when(s == 15)
            def _():
                pltpu.sync_copy(acc.at[pl.ds(15 * RPT, LAST)],
                                dst_out.at[pl.ds(c * N + 15 * RPT, LAST)])

        zero_acc()
        plsc.subcore_barrier()

        def wbody(i, carry):
            base = base0 + i * CH
            pltpu.sync_copy(dst_hbm.at[pl.ds(base, CH)], dbuf)
            pltpu.sync_copy(w_hbm.at[pl.ds(base, CH)], wbuf)
            pltpu.sync_copy(wbuf, acc.at[dbuf], add=True)
            return carry

        lax.fori_loop(0, NCH, wbody, 0)
        plsc.subcore_barrier()
        writeback(out_hbm)
        plsc.subcore_barrier()

        zero_acc()
        exbuf[pl.ds(CH * 8, 16)] = jnp.zeros((16,), jnp.float32)

        def zrow(r, carry):
            for j in range(8):
                wexbuf[r, pl.ds(16 * j, 16)] = jnp.zeros((16,), jnp.float32)
            return carry

        lax.fori_loop(0, CH, zrow, 0)
        plsc.subcore_barrier()

        def exbody(i, carry):
            base = base0 + i * CH
            pltpu.sync_copy(dst_hbm.at[pl.ds(base, CH)], dbuf)
            pltpu.sync_copy(exf_hbm.at[pl.ds(base * 8, CH * 8)],
                            exbuf.at[pl.ds(0, CH * 8)])

            def ex_one(e, carry2):
                wexbuf[e, pl.ds(0, 16)] = exbuf[pl.ds(e * 8, 16)] * lane8f
                return carry2

            lax.fori_loop(0, CH, ex_one, 0)
            pltpu.sync_copy(wexbuf, acc.at[dbuf], add=True)
            return carry

        lax.fori_loop(0, NCH, exbody, 0)
        plsc.subcore_barrier()
        writeback(sums_hbm)

    return scatter_kernel(w, exf, dst, zw)




def _k5_body(u0_ref, u1_ref, s0_ref, s1_ref, h_ref,
             w1_ref, b1_ref, g_ref, be_ref, w2_ref, b2_ref, out_ref):
    u = u0_ref[...] + u1_ref[...]
    h = h_ref[...]
    s8 = s0_ref[:, :8] + s1_ref[:, :8]
    r8 = _head_expand()
    denom = jnp.dot(s8, r8, preferred_element_type=jnp.float32) + 1e-16
    agg = u / denom
    x = (
        jnp.dot(agg, w1_ref[0:OUT, :], preferred_element_type=jnp.float32)
        + jnp.dot(h, w1_ref[OUT:, :], preferred_element_type=jnp.float32)
        + b1_ref[...]
    )
    x = _layernorm_relu(x, g_ref[...], be_ref[...])
    out_ref[...] = jnp.dot(x, w2_ref[...], preferred_element_type=jnp.float32) + b2_ref[...]


def _k5(uacc, sums, h, out_params):
    w1, b1, g, be, w2, b2 = out_params
    full = lambda shape: pl.BlockSpec(shape, lambda i: (0, 0))
    nblk = N // NB
    return pl.pallas_call(
        _k5_body,
        grid=(nblk,),
        in_specs=[
            pl.BlockSpec((NB, OUT), lambda i: (i, 0)),
            pl.BlockSpec((NB, OUT), lambda i: (i + nblk, 0)),
            pl.BlockSpec((NB, OUT), lambda i: (i, 0)),
            pl.BlockSpec((NB, OUT), lambda i: (i + nblk, 0)),
            pl.BlockSpec((NB, IN_DIM), lambda i: (i, 0)),
            full((2 * HID, HID)), full((1, HID)), full((1, HID)), full((1, HID)),
            full((HID, HID)), full((1, HID)),
        ],
        out_specs=pl.BlockSpec((NB, HID), lambda i: (i, 0)),
        out_shape=jax.ShapeDtypeStruct((N, HID), jnp.float32),
    )(uacc, uacc, sums, sums, h,
      w1, b1[None, :], g[None, :], be[None, :], w2, b2[None, :])




def kernel(h, edge_feat, edge_index, hk_params, hv_params, hq_params, out_params):
    dst = edge_index[1]
    src = edge_index[0]
    q = _k1(h, hq_params)
    ghi, ghj = _k2_gather_spmem(h, dst, src)
    gq = _k2_gather_spmem(q, dst, None)
    w, ex8 = _k3(ghi, ghj, gq, edge_feat, hk_params, hv_params)
    zw = jnp.zeros((RPT, OUT), jnp.float32)
    uacc, sums = _k4_scatter(w, ex8.reshape(-1), dst, zw)
    return _k5(uacc, sums, h, out_params)

# --- scband reference (transcript-rebuilt; emitter-appended) ---
"""Pipeline reference for scband-node-update-layer-16020228014616 (READ-ONLY COPY).

The authoritative reference and input builder live on the scoring server;
editing this copy changes nothing except your own understanding.
"""

import jax, jax.numpy as jnp
import numpy as np

N = 10000
E = 320000
IN_DIM = 128
EDGE_DIM = 16
HID = 128
OUT = 128
HEADS = 4
D_HEAD = OUT // HEADS


def _mlp_params(key, in_dim, out_dim, hid):
    k1, k2 = jax.random.split(key)
    w1 = jax.random.normal(k1, (in_dim, hid), dtype=jnp.float32) / np.sqrt(in_dim)
    b1 = jnp.zeros((hid,), jnp.float32)
    g = jnp.ones((hid,), jnp.float32)
    be = jnp.zeros((hid,), jnp.float32)
    w2 = jax.random.normal(k2, (hid, out_dim), dtype=jnp.float32) / np.sqrt(hid)
    b2 = jnp.zeros((out_dim,), jnp.float32)
    return (w1, b1, g, be, w2, b2)


def _mlp(p, x):
    # Linear -> LayerNorm -> ReLU -> Linear (MLP(in, out, hidden, norm=True, act_fn='relu'))
    w1, b1, g, be, w2, b2 = p
    h = x @ w1 + b1
    mu = jnp.mean(h, axis=-1, keepdims=True)
    var = jnp.var(h, axis=-1, keepdims=True)
    h = (h - mu) / jnp.sqrt(var + 1e-5) * g + be
    h = jax.nn.relu(h)
    return h @ w2 + b2


def _segment_softmax(scores, seg, num_segments):
    m = jax.ops.segment_max(scores, seg, num_segments)
    m = jnp.where(jnp.isfinite(m), m, 0.0)
    ex = jnp.exp(scores - m[seg])
    s = jax.ops.segment_sum(ex, seg, num_segments)
    return ex / (s[seg] + 1e-16)


def setup_inputs(seed: int = 0) -> dict:
    key = jax.random.key(seed)
    ks = jax.random.split(key, 8)
    h = jax.random.normal(ks[0], (N, IN_DIM), dtype=jnp.float32)
    edge_feat = jax.random.normal(ks[1], (E, EDGE_DIM), dtype=jnp.float32)
    edge_index = jax.random.randint(ks[2], (2, E), 0, N, dtype=jnp.int32)
    kv_in = IN_DIM * 2 + EDGE_DIM
    hk_params = _mlp_params(ks[3], kv_in, OUT, HID)
    hv_params = _mlp_params(ks[4], kv_in, OUT, HID)
    hq_params = _mlp_params(ks[5], IN_DIM, OUT, HID)
    out_params = _mlp_params(ks[6], 2 * HID, HID, HID)
    return {
        "h": h,
        "edge_feat": edge_feat,
        "edge_index": edge_index,
        "hk_params": hk_params,
        "hv_params": hv_params,
        "hq_params": hq_params,
        "out_params": out_params,
    }


def reference(h, edge_feat, edge_index, hk_params, hv_params, hq_params, out_params):
    src = edge_index[0]
    dst = edge_index[1]
    hi = h[dst]
    hj = h[src]
    kv_input = jnp.concatenate([edge_feat, hi, hj], axis=-1)
    k = _mlp(hk_params, kv_input).reshape(-1, HEADS, D_HEAD)
    v = _mlp(hv_params, kv_input)  # e_w is None -> multiply by 1.0
    v = v.reshape(-1, HEADS, D_HEAD)
    q = _mlp(hq_params, h).reshape(-1, HEADS, D_HEAD)
    alpha_logits = (q[dst] * k / np.sqrt(D_HEAD)).sum(-1)  # [E, HEADS]
    alpha = _segment_softmax(alpha_logits, dst, N)
    m = alpha[..., None] * v  # [E, HEADS, D_HEAD]
    output = jax.ops.segment_sum(m, dst, N)
    output = output.reshape(-1, OUT)
    output = _mlp(out_params, jnp.concatenate([output, h], axis=-1))
    return output

if __name__ == "__main__":
    import jax
    _d = setup_inputs()
    print(jax.jit(kernel)(*tuple(_d.values())))

</pallas_src>

<mosaic_0001>
#map = affine_map<(d0, d1) -> (0, 0)>
#map1 = affine_map<(d0, d1) -> (0)>
module attributes {stable_mosaic.version = 14 : i64} {
  func.func @gather_kernel(%arg0: i32, %arg1: i32, %arg2: memref<10000x128xf32, #tpu.memory_space<hbm>>, %arg3: memref<320000xi32, #tpu.memory_space<hbm>>, %arg4: memref<320000x128xf32, #tpu.memory_space<hbm>>, %arg5: memref<80xi32, #tpu.memory_space<vmem>>, %arg6: memref<80x128xf32, #tpu.memory_space<vmem>>, %arg7: memref<!tpu.dma_semaphore, #tpu.memory_space<semaphore_mem>>, %arg8: memref<10240x128xf32, #tpu.memory_space<vmem_shared>>) attributes {dimension_semantics = [#tpu.dimension_semantics<core_parallel>, #tpu.dimension_semantics<subcore_parallel>], iteration_bounds = array<i64: 2, 16>, scalar_prefetch = 0 : i64, scratch_operands = 4 : i64, tpu.core_type = #tpu.core_type<sc_vector_subcore>, window_params = [{transform_indices = #map}, {transform_indices = #map1}, {transform_indices = #map}]} {
    %mul3A = arith.constant 2 : i32
    %mul3A_0 = arith.muli %arg1, %mul3A : i32
    %add3A = arith.addi %mul3A_0, %arg0 : i32
    %mul3A_1 = arith.constant 10000 : i32
    %mul3A_2 = arith.muli %add3A, %mul3A_1 : i32
    %mul3A_3 = arith.constant 640 : i32
    %mul3A_4 = arith.muli %arg1, %mul3A_3 : i32
    %lt3A = arith.constant 15 : i32
    %lt3A_5 = arith.cmpi slt, %arg1, %lt3A : i32
    %convert_element_type3A = arith.extui %lt3A_5 : i1 to i32
    %cond3A = arith.constant 0 : i32
    %cond3A_6 = arith.cmpi ne, %convert_element_type3A, %cond3A : i32
    scf.if %cond3A_6 {
      "tpu.region"() ({
        %run_scoped3A = tpu.sem_alloc : memref<!tpu.dma_semaphore, #tpu.memory_space<semaphore_mem>>
        %dma_start3A = arith.constant 0 : i32
        %dma_start3A_16 = tpu.memref_slice %arg8[%mul3A_4, %dma_start3A] : memref<10240x128xf32, #tpu.memory_space<vmem_shared>> -> memref<640x128xf32, #tpu.memory_space<vmem_shared>>
        %dma_start3A_17 = arith.constant 0 : i32
        %dma_start3A_18 = tpu.memref_slice %arg2[%mul3A_4, %dma_start3A_17] : memref<10000x128xf32, #tpu.memory_space<hbm>> -> memref<640x128xf32, #tpu.memory_space<hbm>>
        tpu.enqueue_dma source(%dma_start3A_18 : memref<640x128xf32, #tpu.memory_space<hbm>>) target(%dma_start3A_16 : memref<640x128xf32, #tpu.memory_space<vmem_shared>>) target_semaphore(%run_scoped3A : memref<!tpu.dma_semaphore, #tpu.memory_space<semaphore_mem>>)
        %dma_wait3A = arith.constant 0 : i32
        %dma_wait3A_19 = tpu.memref_slice %arg8[%mul3A_4, %dma_wait3A] : memref<10240x128xf32, #tpu.memory_space<vmem_shared>> -> memref<640x128xf32, #tpu.memory_space<vmem_shared>>
        %dma_wait3A_20 = arith.constant 0 : i32
        %dma_wait3A_21 = tpu.memref_slice %arg2[%mul3A_4, %dma_wait3A_20] : memref<10000x128xf32, #tpu.memory_space<hbm>> -> memref<640x128xf32, #tpu.memory_space<hbm>>
        tpu.wait_dma2 semaphore(%run_scoped3A : memref<!tpu.dma_semaphore, #tpu.memory_space<semaphore_mem>>) src(%dma_wait3A_21 : memref<640x128xf32, #tpu.memory_space<hbm>>) dst(%dma_wait3A_19 : memref<640x128xf32, #tpu.memory_space<vmem_shared>>)
        tpu.yield
      }) : () -> ()
    } else {
    }
    %eq3A = arith.constant 15 : i32
    %eq3A_7 = arith.cmpi eq, %arg1, %eq3A : i32
    %convert_element_type3A_8 = arith.extui %eq3A_7 : i1 to i32
    %cond3A_9 = arith.constant 0 : i32
    %cond3A_10 = arith.cmpi ne, %convert_element_type3A_8, %cond3A_9 : i32
    scf.if %cond3A_10 {
      "tpu.region"() ({
        %run_scoped3A = tpu.sem_alloc : memref<!tpu.dma_semaphore, #tpu.memory_space<semaphore_mem>>
        %dma_start3A = arith.constant 9600 : i32
        %dma_start3A_16 = arith.constant 0 : i32
        %dma_start3A_17 = tpu.memref_slice %arg8[%dma_start3A, %dma_start3A_16] : memref<10240x128xf32, #tpu.memory_space<vmem_shared>> -> memref<400x128xf32, #tpu.memory_space<vmem_shared>>
        %dma_start3A_18 = arith.constant 9600 : i32
        %dma_start3A_19 = arith.constant 0 : i32
        %dma_start3A_20 = tpu.memref_slice %arg2[%dma_start3A_18, %dma_start3A_19] : memref<10000x128xf32, #tpu.memory_space<hbm>> -> memref<400x128xf32, #tpu.memory_space<hbm>>
        tpu.enqueue_dma source(%dma_start3A_20 : memref<400x128xf32, #tpu.memory_space<hbm>>) target(%dma_start3A_17 : memref<400x128xf32, #tpu.memory_space<vmem_shared>>) target_semaphore(%run_scoped3A : memref<!tpu.dma_semaphore, #tpu.memory_space<semaphore_mem>>)
        %dma_wait3A = arith.constant 9600 : i32
        %dma_wait3A_21 = arith.constant 0 : i32
        %dma_wait3A_22 = tpu.memref_slice %arg8[%dma_wait3A, %dma_wait3A_21] : memref<10240x128xf32, #tpu.memory_space<vmem_shared>> -> memref<400x128xf32, #tpu.memory_space<vmem_shared>>
        %dma_wait3A_23 = arith.constant 9600 : i32
        %dma_wait3A_24 = arith.constant 0 : i32
        %dma_wait3A_25 = tpu.memref_slice %arg2[%dma_wait3A_23, %dma_wait3A_24] : memref<10000x128xf32, #tpu.memory_space<hbm>> -> memref<400x128xf32, #tpu.memory_space<hbm>>
        tpu.wait_dma2 semaphore(%run_scoped3A : memref<!tpu.dma_semaphore, #tpu.memory_space<semaphore_mem>>) src(%dma_wait3A_25 : memref<400x128xf32, #tpu.memory_space<hbm>>) dst(%dma_wait3A_22 : memref<400x128xf32, #tpu.memory_space<vmem_shared>>)
        tpu.yield
      }) : () -> ()
    } else {
    }
    %barrier3A = arith.constant 0 : index
    tpu.barrier barrier_id(%barrier3A)
    %scan3A = arith.constant 0 : i32
    %scan3A_11 = arith.constant 0 : i32
    %scan3A_12 = arith.constant 125 : i32
    %scan3A_13 = arith.addi %scan3A_11, %scan3A_12 : i32
    %scan3A_14 = arith.constant 1 : i32
    scf.for %scan3A_16 = %scan3A_11 to %scan3A_13 step %scan3A_14  : i32 {
      %mul3A_17 = arith.constant 80 : i32
      %mul3A_18 = arith.muli %scan3A_16, %mul3A_17 : i32
      %add3A_19 = arith.addi %mul3A_2, %mul3A_18 : i32
      "tpu.region"() ({
        %run_scoped3A = tpu.sem_alloc : memref<!tpu.dma_semaphore, #tpu.memory_space<semaphore_mem>>
        %dma_start3A_24 = tpu.memref_slice %arg3[%add3A_19] : memref<320000xi32, #tpu.memory_space<hbm>> -> memref<80xi32, #tpu.memory_space<hbm>>
        %dma_start3A_25 = tpu.memref_slice %arg3[%add3A_19] : memref<320000xi32, #tpu.memory_space<hbm>> -> memref<80xi32, #tpu.memory_space<hbm>>
        tpu.enqueue_dma source(%dma_start3A_25 : memref<80xi32, #tpu.memory_space<hbm>>) target(%arg5 : memref<80xi32, #tpu.memory_space<vmem>>) target_semaphore(%run_scoped3A : memref<!tpu.dma_semaphore, #tpu.memory_space<semaphore_mem>>)
        %dma_wait3A_26 = tpu.memref_slice %arg3[%add3A_19] : memref<320000xi32, #tpu.memory_space<hbm>> -> memref<80xi32, #tpu.memory_space<hbm>>
        %dma_wait3A_27 = tpu.memref_slice %arg3[%add3A_19] : memref<320000xi32, #tpu.memory_space<hbm>> -> memref<80xi32, #tpu.memory_space<hbm>>
        tpu.wait_dma2 semaphore(%run_scoped3A : memref<!tpu.dma_semaphore, #tpu.memory_space<semaphore_mem>>) src(%dma_wait3A_27 : memref<80xi32, #tpu.memory_space<hbm>>) dst(%arg5 : memref<80xi32, #tpu.memory_space<vmem>>)
        tpu.yield
      }) : () -> ()
      %dma_start3A = arith.constant 0 : i32
      %dma_start3A_20 = arith.constant 0 : i32
      %dma_start3A_21 = tpu.memref_slice %arg8[%dma_start3A, %dma_start3A_20] : memref<10240x128xf32, #tpu.memory_space<vmem_shared>> -> memref<10240x128xf32, #tpu.memory_space<vmem_shared>>
      tpu.enqueue_indirect_dma source(%dma_start3A_21 : memref<10240x128xf32, #tpu.memory_space<vmem_shared>>) target(%arg6 : memref<80x128xf32, #tpu.memory_space<vmem>>) offsets(%arg5 : memref<80xi32, #tpu.memory_space<vmem>>) semaphore(%arg7 : memref<!tpu.dma_semaphore, #tpu.memory_space<semaphore_mem>>)
      %dma_wait3A = arith.constant 0 : i32
      %dma_wait3A_22 = arith.constant 0 : i32
      %dma_wait3A_23 = tpu.memref_slice %arg8[%dma_wait3A, %dma_wait3A_22] : memref<10240x128xf32, #tpu.memory_space<vmem_shared>> -> memref<10240x128xf32, #tpu.memory_space<vmem_shared>>
      tpu.wait_indirect_dma semaphore(%arg7 : memref<!tpu.dma_semaphore, #tpu.memory_space<semaphore_mem>>) src(%dma_wait3A_23 : memref<10240x128xf32, #tpu.memory_space<vmem_shared>>) dst(%arg6 : memref<80x128xf32, #tpu.memory_space<vmem>>)
      "tpu.region"() ({
        %run_scoped3A = tpu.sem_alloc : memref<!tpu.dma_semaphore, #tpu.memory_space<semaphore_mem>>
        %dma_start3A_24 = arith.constant 0 : i32
        %dma_start3A_25 = tpu.memref_slice %arg4[%add3A_19, %dma_start3A_24] : memref<320000x128xf32, #tpu.memory_space<hbm>> -> memref<80x128xf32, #tpu.memory_space<hbm>>
        %dma_start3A_26 = arith.constant 0 : i32
        %dma_start3A_27 = tpu.memref_slice %arg4[%add3A_19, %dma_start3A_26] : memref<320000x128xf32, #tpu.memory_space<hbm>> -> memref<80x128xf32, #tpu.memory_space<hbm>>
        tpu.enqueue_dma source(%arg6 : memref<80x128xf32, #tpu.memory_space<vmem>>) target(%dma_start3A_27 : memref<80x128xf32, #tpu.memory_space<hbm>>) target_semaphore(%run_scoped3A : memref<!tpu.dma_semaphore, #tpu.memory_space<semaphore_mem>>)
        %dma_wait3A_28 = arith.constant 0 : i32
        %dma_wait3A_29 = tpu.memref_slice %arg4[%add3A_19, %dma_wait3A_28] : memref<320000x128xf32, #tpu.memory_space<hbm>> -> memref<80x128xf32, #tpu.memory_space<hbm>>
        %dma_wait3A_30 = arith.constant 0 : i32
        %dma_wait3A_31 = tpu.memref_slice %arg4[%add3A_19, %dma_wait3A_30] : memref<320000x128xf32, #tpu.memory_space<hbm>> -> memref<80x128xf32, #tpu.memory_space<hbm>>
        tpu.wait_dma2 semaphore(%run_scoped3A : memref<!tpu.dma_semaphore, #tpu.memory_space<semaphore_mem>>) src(%arg6 : memref<80x128xf32, #tpu.memory_space<vmem>>) dst(%dma_wait3A_31 : memref<80x128xf32, #tpu.memory_space<hbm>>)
        tpu.yield
      }) : () -> ()
    }
    %scan3A_15 = arith.constant 125 : i32
    return
  }
}

#map = affine_map<(d0, d1) -> (0, 0)>
#map1 = affine_map<(d0, d1) -> (0)>
module attributes {stable_mosaic.version = 14 : i64} {
  func.func @gather_kernel(%arg0: i32, %arg1: i32, %arg2: memref<10000x128xf32, #tpu.memory_space<hbm>>, %arg3: memref<320000xi32, #tpu.memory_space<hbm>>, %arg4: memref<320000xi32, #tpu.memory_space<hbm>>, %arg5: memref<320000x128xf32, #tpu.memory_space<hbm>>, %arg6: memref<320000x128xf32, #tpu.memory_space<hbm>>, %arg7: memref<80xi32, #tpu.memory_space<vmem>>, %arg8: memref<80x128xf32, #tpu.memory_space<vmem>>, %arg9: memref<!tpu.dma_semaphore, #tpu.memory_space<semaphore_mem>>, %arg10: memref<10240x128xf32, #tpu.memory_space<vmem_shared>>) attributes {dimension_semantics = [#tpu.dimension_semantics<core_parallel>, #tpu.dimension_semantics<subcore_parallel>], iteration_bounds = array<i64: 2, 16>, scalar_prefetch = 0 : i64, scratch_operands = 4 : i64, tpu.core_type = #tpu.core_type<sc_vector_subcore>, window_params = [{transform_indices = #map}, {transform_indices = #map1}, {transform_indices = #map1}, {transform_indices = #map}, {transform_indices = #map}]} {
    %mul3A = arith.constant 2 : i32
    %mul3A_0 = arith.muli %arg1, %mul3A : i32
    %add3A = arith.addi %mul3A_0, %arg0 : i32
    %mul3A_1 = arith.constant 10000 : i32
    %mul3A_2 = arith.muli %add3A, %mul3A_1 : i32
    %mul3A_3 = arith.constant 640 : i32
    %mul3A_4 = arith.muli %arg1, %mul3A_3 : i32
    %lt3A = arith.constant 15 : i32
    %lt3A_5 = arith.cmpi slt, %arg1, %lt3A : i32
    %convert_element_type3A = arith.extui %lt3A_5 : i1 to i32
    %cond3A = arith.constant 0 : i32
    %cond3A_6 = arith.cmpi ne, %convert_element_type3A, %cond3A : i32
    scf.if %cond3A_6 {
      "tpu.region"() ({
        %run_scoped3A = tpu.sem_alloc : memref<!tpu.dma_semaphore, #tpu.memory_space<semaphore_mem>>
        %dma_start3A = arith.constant 0 : i32
        %dma_start3A_22 = tpu.memref_slice %arg10[%mul3A_4, %dma_start3A] : memref<10240x128xf32, #tpu.memory_space<vmem_shared>> -> memref<640x128xf32, #tpu.memory_space<vmem_shared>>
        %dma_start3A_23 = arith.constant 0 : i32
        %dma_start3A_24 = tpu.memref_slice %arg2[%mul3A_4, %dma_start3A_23] : memref<10000x128xf32, #tpu.memory_space<hbm>> -> memref<640x128xf32, #tpu.memory_space<hbm>>
        tpu.enqueue_dma source(%dma_start3A_24 : memref<640x128xf32, #tpu.memory_space<hbm>>) target(%dma_start3A_22 : memref<640x128xf32, #tpu.memory_space<vmem_shared>>) target_semaphore(%run_scoped3A : memref<!tpu.dma_semaphore, #tpu.memory_space<semaphore_mem>>)
        %dma_wait3A = arith.constant 0 : i32
        %dma_wait3A_25 = tpu.memref_slice %arg10[%mul3A_4, %dma_wait3A] : memref<10240x128xf32, #tpu.memory_space<vmem_shared>> -> memref<640x128xf32, #tpu.memory_space<vmem_shared>>
        %dma_wait3A_26 = arith.constant 0 : i32
        %dma_wait3A_27 = tpu.memref_slice %arg2[%mul3A_4, %dma_wait3A_26] : memref<10000x128xf32, #tpu.memory_space<hbm>> -> memref<640x128xf32, #tpu.memory_space<hbm>>
        tpu.wait_dma2 semaphore(%run_scoped3A : memref<!tpu.dma_semaphore, #tpu.memory_space<semaphore_mem>>) src(%dma_wait3A_27 : memref<640x128xf32, #tpu.memory_space<hbm>>) dst(%dma_wait3A_25 : memref<640x128xf32, #tpu.memory_space<vmem_shared>>)
        tpu.yield
      }) : () -> ()
    } else {
    }
    %eq3A = arith.constant 15 : i32
    %eq3A_7 = arith.cmpi eq, %arg1, %eq3A : i32
    %convert_element_type3A_8 = arith.extui %eq3A_7 : i1 to i32
    %cond3A_9 = arith.constant 0 : i32
    %cond3A_10 = arith.cmpi ne, %convert_element_type3A_8, %cond3A_9 : i32
    scf.if %cond3A_10 {
      "tpu.region"() ({
        %run_scoped3A = tpu.sem_alloc : memref<!tpu.dma_semaphore, #tpu.memory_space<semaphore_mem>>
        %dma_start3A = arith.constant 9600 : i32
        %dma_start3A_22 = arith.constant 0 : i32
        %dma_start3A_23 = tpu.memref_slice %arg10[%dma_start3A, %dma_start3A_22] : memref<10240x128xf32, #tpu.memory_space<vmem_shared>> -> memref<400x128xf32, #tpu.memory_space<vmem_shared>>
        %dma_start3A_24 = arith.constant 9600 : i32
        %dma_start3A_25 = arith.constant 0 : i32
        %dma_start3A_26 = tpu.memref_slice %arg2[%dma_start3A_24, %dma_start3A_25] : memref<10000x128xf32, #tpu.memory_space<hbm>> -> memref<400x128xf32, #tpu.memory_space<hbm>>
        tpu.enqueue_dma source(%dma_start3A_26 : memref<400x128xf32, #tpu.memory_space<hbm>>) target(%dma_start3A_23 : memref<400x128xf32, #tpu.memory_space<vmem_shared>>) target_semaphore(%run_scoped3A : memref<!tpu.dma_semaphore, #tpu.memory_space<semaphore_mem>>)
        %dma_wait3A = arith.constant 9600 : i32
        %dma_wait3A_27 = arith.constant 0 : i32
        %dma_wait3A_28 = tpu.memref_slice %arg10[%dma_wait3A, %dma_wait3A_27] : memref<10240x128xf32, #tpu.memory_space<vmem_shared>> -> memref<400x128xf32, #tpu.memory_space<vmem_shared>>
        %dma_wait3A_29 = arith.constant 9600 : i32
        %dma_wait3A_30 = arith.constant 0 : i32
        %dma_wait3A_31 = tpu.memref_slice %arg2[%dma_wait3A_29, %dma_wait3A_30] : memref<10000x128xf32, #tpu.memory_space<hbm>> -> memref<400x128xf32, #tpu.memory_space<hbm>>
        tpu.wait_dma2 semaphore(%run_scoped3A : memref<!tpu.dma_semaphore, #tpu.memory_space<semaphore_mem>>) src(%dma_wait3A_31 : memref<400x128xf32, #tpu.memory_space<hbm>>) dst(%dma_wait3A_28 : memref<400x128xf32, #tpu.memory_space<vmem_shared>>)
        tpu.yield
      }) : () -> ()
    } else {
    }
    %barrier3A = arith.constant 0 : index
    tpu.barrier barrier_id(%barrier3A)
    %scan3A = arith.constant 0 : i32
    %scan3A_11 = arith.constant 0 : i32
    %scan3A_12 = arith.constant 125 : i32
    %scan3A_13 = arith.addi %scan3A_11, %scan3A_12 : i32
    %scan3A_14 = arith.constant 1 : i32
    scf.for %scan3A_22 = %scan3A_11 to %scan3A_13 step %scan3A_14  : i32 {
      %mul3A_23 = arith.constant 80 : i32
      %mul3A_24 = arith.muli %scan3A_22, %mul3A_23 : i32
      %add3A_25 = arith.addi %mul3A_2, %mul3A_24 : i32
      "tpu.region"() ({
        %run_scoped3A = tpu.sem_alloc : memref<!tpu.dma_semaphore, #tpu.memory_space<semaphore_mem>>
        %dma_start3A_30 = tpu.memref_slice %arg3[%add3A_25] : memref<320000xi32, #tpu.memory_space<hbm>> -> memref<80xi32, #tpu.memory_space<hbm>>
        %dma_start3A_31 = tpu.memref_slice %arg3[%add3A_25] : memref<320000xi32, #tpu.memory_space<hbm>> -> memref<80xi32, #tpu.memory_space<hbm>>
        tpu.enqueue_dma source(%dma_start3A_31 : memref<80xi32, #tpu.memory_space<hbm>>) target(%arg7 : memref<80xi32, #tpu.memory_space<vmem>>) target_semaphore(%run_scoped3A : memref<!tpu.dma_semaphore, #tpu.memory_space<semaphore_mem>>)
        %dma_wait3A_32 = tpu.memref_slice %arg3[%add3A_25] : memref<320000xi32, #tpu.memory_space<hbm>> -> memref<80xi32, #tpu.memory_space<hbm>>
        %dma_wait3A_33 = tpu.memref_slice %arg3[%add3A_25] : memref<320000xi32, #tpu.memory_space<hbm>> -> memref<80xi32, #tpu.memory_space<hbm>>
        tpu.wait_dma2 semaphore(%run_scoped3A : memref<!tpu.dma_semaphore, #tpu.memory_space<semaphore_mem>>) src(%dma_wait3A_33 : memref<80xi32, #tpu.memory_space<hbm>>) dst(%arg7 : memref<80xi32, #tpu.memory_space<vmem>>)
        tpu.yield
      }) : () -> ()
      %dma_start3A = arith.constant 0 : i32
      %dma_start3A_26 = arith.constant 0 : i32
      %dma_start3A_27 = tpu.memref_slice %arg10[%dma_start3A, %dma_start3A_26] : memref<10240x128xf32, #tpu.memory_space<vmem_shared>> -> memref<10240x128xf32, #tpu.memory_space<vmem_shared>>
      tpu.enqueue_indirect_dma source(%dma_start3A_27 : memref<10240x128xf32, #tpu.memory_space<vmem_shared>>) target(%arg8 : memref<80x128xf32, #tpu.memory_space<vmem>>) offsets(%arg7 : memref<80xi32, #tpu.memory_space<vmem>>) semaphore(%arg9 : memref<!tpu.dma_semaphore, #tpu.memory_space<semaphore_mem>>)
      %dma_wait3A = arith.constant 0 : i32
      %dma_wait3A_28 = arith.constant 0 : i32
      %dma_wait3A_29 = tpu.memref_slice %arg10[%dma_wait3A, %dma_wait3A_28] : memref<10240x128xf32, #tpu.memory_space<vmem_shared>> -> memref<10240x128xf32, #tpu.memory_space<vmem_shared>>
      tpu.wait_indirect_dma semaphore(%arg9 : memref<!tpu.dma_semaphore, #tpu.memory_space<semaphore_mem>>) src(%dma_wait3A_29 : memref<10240x128xf32, #tpu.memory_space<vmem_shared>>) dst(%arg8 : memref<80x128xf32, #tpu.memory_space<vmem>>)
      "tpu.region"() ({
        %run_scoped3A = tpu.sem_alloc : memref<!tpu.dma_semaphore, #tpu.memory_space<semaphore_mem>>
        %dma_start3A_30 = arith.constant 0 : i32
        %dma_start3A_31 = tpu.memref_slice %arg5[%add3A_25, %dma_start3A_30] : memref<320000x128xf32, #tpu.memory_space<hbm>> -> memref<80x128xf32, #tpu.memory_space<hbm>>
        %dma_start3A_32 = arith.constant 0 : i32
        %dma_start3A_33 = tpu.memref_slice %arg5[%add3A_25, %dma_start3A_32] : memref<320000x128xf32, #tpu.memory_space<hbm>> -> memref<80x128xf32, #tpu.memory_space<hbm>>
        tpu.enqueue_dma source(%arg8 : memref<80x128xf32, #tpu.memory_space<vmem>>) target(%dma_start3A_33 : memref<80x128xf32, #tpu.memory_space<hbm>>) target_semaphore(%run_scoped3A : memref<!tpu.dma_semaphore, #tpu.memory_space<semaphore_mem>>)
        %dma_wait3A_34 = arith.constant 0 : i32
        %dma_wait3A_35 = tpu.memref_slice %arg5[%add3A_25, %dma_wait3A_34] : memref<320000x128xf32, #tpu.memory_space<hbm>> -> memref<80x128xf32, #tpu.memory_space<hbm>>
        %dma_wait3A_36 = arith.constant 0 : i32
        %dma_wait3A_37 = tpu.memref_slice %arg5[%add3A_25, %dma_wait3A_36] : memref<320000x128xf32, #tpu.memory_space<hbm>> -> memref<80x128xf32, #tpu.memory_space<hbm>>
        tpu.wait_dma2 semaphore(%run_scoped3A : memref<!tpu.dma_semaphore, #tpu.memory_space<semaphore_mem>>) src(%arg8 : memref<80x128xf32, #tpu.memory_space<vmem>>) dst(%dma_wait3A_37 : memref<80x128xf32, #tpu.memory_space<hbm>>)
        tpu.yield
      }) : () -> ()
    }
    %scan3A_15 = arith.constant 125 : i32
    %scan3A_16 = arith.constant 0 : i32
    %scan3A_17 = arith.constant 0 : i32
    %scan3A_18 = arith.constant 125 : i32
    %scan3A_19 = arith.addi %scan3A_17, %scan3A_18 : i32
    %scan3A_20 = arith.constant 1 : i32
    scf.for %scan3A_22 = %scan3A_17 to %scan3A_19 step %scan3A_20  : i32 {
      %mul3A_23 = arith.constant 80 : i32
      %mul3A_24 = arith.muli %scan3A_22, %mul3A_23 : i32
      %add3A_25 = arith.addi %mul3A_2, %mul3A_24 : i32
      "tpu.region"() ({
        %run_scoped3A = tpu.sem_alloc : memref<!tpu.dma_semaphore, #tpu.memory_space<semaphore_mem>>
        %dma_start3A_30 = tpu.memref_slice %arg4[%add3A_25] : memref<320000xi32, #tpu.memory_space<hbm>> -> memref<80xi32, #tpu.memory_space<hbm>>
        %dma_start3A_31 = tpu.memref_slice %arg4[%add3A_25] : memref<320000xi32, #tpu.memory_space<hbm>> -> memref<80xi32, #tpu.memory_space<hbm>>
        tpu.enqueue_dma source(%dma_start3A_31 : memref<80xi32, #tpu.memory_space<hbm>>) target(%arg7 : memref<80xi32, #tpu.memory_space<vmem>>) target_semaphore(%run_scoped3A : memref<!tpu.dma_semaphore, #tpu.memory_space<semaphore_mem>>)
        %dma_wait3A_32 = tpu.memref_slice %arg4[%add3A_25] : memref<320000xi32, #tpu.memory_space<hbm>> -> memref<80xi32, #tpu.memory_space<hbm>>
        %dma_wait3A_33 = tpu.memref_slice %arg4[%add3A_25] : memref<320000xi32, #tpu.memory_space<hbm>> -> memref<80xi32, #tpu.memory_space<hbm>>
        tpu.wait_dma2 semaphore(%run_scoped3A : memref<!tpu.dma_semaphore, #tpu.memory_space<semaphore_mem>>) src(%dma_wait3A_33 : memref<80xi32, #tpu.memory_space<hbm>>) dst(%arg7 : memref<80xi32, #tpu.memory_space<vmem>>)
        tpu.yield
      }) : () -> ()
      %dma_start3A = arith.constant 0 : i32
      %dma_start3A_26 = arith.constant 0 : i32
      %dma_start3A_27 = tpu.memref_slice %arg10[%dma_start3A, %dma_start3A_26] : memref<10240x128xf32, #tpu.memory_space<vmem_shared>> -> memref<10240x128xf32, #tpu.memory_space<vmem_shared>>
      tpu.enqueue_indirect_dma source(%dma_start3A_27 : memref<10240x128xf32, #tpu.memory_space<vmem_shared>>) target(%arg8 : memref<80x128xf32, #tpu.memory_space<vmem>>) offsets(%arg7 : memref<80xi32, #tpu.memory_space<vmem>>) semaphore(%arg9 : memref<!tpu.dma_semaphore, #tpu.memory_space<semaphore_mem>>)
      %dma_wait3A = arith.constant 0 : i32
      %dma_wait3A_28 = arith.constant 0 : i32
      %dma_wait3A_29 = tpu.memref_slice %arg10[%dma_wait3A, %dma_wait3A_28] : memref<10240x128xf32, #tpu.memory_space<vmem_shared>> -> memref<10240x128xf32, #tpu.memory_space<vmem_shared>>
      tpu.wait_indirect_dma semaphore(%arg9 : memref<!tpu.dma_semaphore, #tpu.memory_space<semaphore_mem>>) src(%dma_wait3A_29 : memref<10240x128xf32, #tpu.memory_space<vmem_shared>>) dst(%arg8 : memref<80x128xf32, #tpu.memory_space<vmem>>)
      "tpu.region"() ({
        %run_scoped3A = tpu.sem_alloc : memref<!tpu.dma_semaphore, #tpu.memory_space<semaphore_mem>>
        %dma_start3A_30 = arith.constant 0 : i32
        %dma_start3A_31 = tpu.memref_slice %arg6[%add3A_25, %dma_start3A_30] : memref<320000x128xf32, #tpu.memory_space<hbm>> -> memref<80x128xf32, #tpu.memory_space<hbm>>
        %dma_start3A_32 = arith.constant 0 : i32
        %dma_start3A_33 = tpu.memref_slice %arg6[%add3A_25, %dma_start3A_32] : memref<320000x128xf32, #tpu.memory_space<hbm>> -> memref<80x128xf32, #tpu.memory_space<hbm>>
        tpu.enqueue_dma source(%arg8 : memref<80x128xf32, #tpu.memory_space<vmem>>) target(%dma_start3A_33 : memref<80x128xf32, #tpu.memory_space<hbm>>) target_semaphore(%run_scoped3A : memref<!tpu.dma_semaphore, #tpu.memory_space<semaphore_mem>>)
        %dma_wait3A_34 = arith.constant 0 : i32
        %dma_wait3A_35 = tpu.memref_slice %arg6[%add3A_25, %dma_wait3A_34] : memref<320000x128xf32, #tpu.memory_space<hbm>> -> memref<80x128xf32, #tpu.memory_space<hbm>>
        %dma_wait3A_36 = arith.constant 0 : i32
        %dma_wait3A_37 = tpu.memref_slice %arg6[%add3A_25, %dma_wait3A_36] : memref<320000x128xf32, #tpu.memory_space<hbm>> -> memref<80x128xf32, #tpu.memory_space<hbm>>
        tpu.wait_dma2 semaphore(%run_scoped3A : memref<!tpu.dma_semaphore, #tpu.memory_space<semaphore_mem>>) src(%arg8 : memref<80x128xf32, #tpu.memory_space<vmem>>) dst(%dma_wait3A_37 : memref<80x128xf32, #tpu.memory_space<hbm>>)
        tpu.yield
      }) : () -> ()
    }
    %scan3A_21 = arith.constant 125 : i32
    return
  }
}

#map = affine_map<(d0, d1) -> (0, 0)>
#map1 = affine_map<(d0, d1) -> (0)>
module attributes {stable_mosaic.version = 14 : i64} {
  func.func @scatter_kernel(%arg0: i32, %arg1: i32, %arg2: memref<320000x128xf32, #tpu.memory_space<hbm>>, %arg3: memref<2560000xf32, #tpu.memory_space<hbm>>, %arg4: memref<320000xi32, #tpu.memory_space<hbm>>, %arg5: memref<640x128xf32, #tpu.memory_space<hbm>>, %arg6: memref<20000x128xf32, #tpu.memory_space<hbm>>, %arg7: memref<20000x128xf32, #tpu.memory_space<hbm>>, %arg8: memref<80xi32, #tpu.memory_space<vmem>>, %arg9: memref<80x128xf32, #tpu.memory_space<vmem>>, %arg10: memref<656xf32, #tpu.memory_space<vmem>>, %arg11: memref<80x128xf32, #tpu.memory_space<vmem>>, %arg12: memref<10240x128xf32, #tpu.memory_space<vmem_shared>>) attributes {dimension_semantics = [#tpu.dimension_semantics<core_parallel>, #tpu.dimension_semantics<subcore_parallel>], iteration_bounds = array<i64: 2, 16>, scalar_prefetch = 0 : i64, scratch_operands = 5 : i64, tpu.core_type = #tpu.core_type<sc_vector_subcore>, window_params = [{transform_indices = #map}, {transform_indices = #map1}, {transform_indices = #map1}, {transform_indices = #map}, {transform_indices = #map}, {transform_indices = #map}]} {
    %mul3A = arith.constant 2 : i32
    %mul3A_0 = arith.muli %arg1, %mul3A : i32
    %add3A = arith.addi %mul3A_0, %arg0 : i32
    %mul3A_1 = arith.constant 10000 : i32
    %mul3A_2 = arith.muli %add3A, %mul3A_1 : i32
    %mul3A_3 = arith.constant 640 : i32
    %mul3A_4 = arith.muli %arg1, %mul3A_3 : i32
    %iota3A = tpu.iota {dimensions = array<i32: 0>} : vector<16xi32>
    %lt3A = arith.constant 8 : i32
    %lt3A_5 = vector.broadcast %lt3A : i32 to vector<16xi32>
    %lt3A_6 = arith.cmpi slt, %iota3A, %lt3A_5 : vector<16xi32>
    %convert_element_type3A = arith.extui %lt3A_6 : vector<16xi1> to vector<16xi32>
    %convert_element_type3A_7 = arith.sitofp %convert_element_type3A : vector<16xi32> to vector<16xf32>
    "tpu.region"() ({
      %run_scoped3A = tpu.sem_alloc : memref<!tpu.dma_semaphore, #tpu.memory_space<semaphore_mem>>
      %dma_start3A = arith.constant 0 : i32
      %dma_start3A_49 = tpu.memref_slice %arg12[%mul3A_4, %dma_start3A] : memref<10240x128xf32, #tpu.memory_space<vmem_shared>> -> memref<640x128xf32, #tpu.memory_space<vmem_shared>>
      tpu.enqueue_dma source(%arg5 : memref<640x128xf32, #tpu.memory_space<hbm>>) target(%dma_start3A_49 : memref<640x128xf32, #tpu.memory_space<vmem_shared>>) target_semaphore(%run_scoped3A : memref<!tpu.dma_semaphore, #tpu.memory_space<semaphore_mem>>)
      %dma_wait3A = arith.constant 0 : i32
      %dma_wait3A_50 = tpu.memref_slice %arg12[%mul3A_4, %dma_wait3A] : memref<10240x128xf32, #tpu.memory_space<vmem_shared>> -> memref<640x128xf32, #tpu.memory_space<vmem_shared>>
      tpu.wait_dma2 semaphore(%run_scoped3A : memref<!tpu.dma_semaphore, #tpu.memory_space<semaphore_mem>>) src(%arg5 : memref<640x128xf32, #tpu.memory_space<hbm>>) dst(%dma_wait3A_50 : memref<640x128xf32, #tpu.memory_space<vmem_shared>>)
      tpu.yield
    }) : () -> ()
    %barrier3A = arith.constant 0 : index
    tpu.barrier barrier_id(%barrier3A)
    %scan3A = arith.constant 0 : i32
    %scan3A_8 = arith.constant 0 : i32
    %scan3A_9 = arith.constant 125 : i32
    %scan3A_10 = arith.addi %scan3A_8, %scan3A_9 : i32
    %scan3A_11 = arith.constant 1 : i32
    scf.for %scan3A_49 = %scan3A_8 to %scan3A_10 step %scan3A_11  : i32 {
      %mul3A_50 = arith.constant 80 : i32
      %mul3A_51 = arith.muli %scan3A_49, %mul3A_50 : i32
      %add3A_52 = arith.addi %mul3A_2, %mul3A_51 : i32
      "tpu.region"() ({
        %run_scoped3A = tpu.sem_alloc : memref<!tpu.dma_semaphore, #tpu.memory_space<semaphore_mem>>
        %dma_start3A = tpu.memref_slice %arg4[%add3A_52] : memref<320000xi32, #tpu.memory_space<hbm>> -> memref<80xi32, #tpu.memory_space<hbm>>
        %dma_start3A_53 = tpu.memref_slice %arg4[%add3A_52] : memref<320000xi32, #tpu.memory_space<hbm>> -> memref<80xi32, #tpu.memory_space<hbm>>
        tpu.enqueue_dma source(%dma_start3A_53 : memref<80xi32, #tpu.memory_space<hbm>>) target(%arg8 : memref<80xi32, #tpu.memory_space<vmem>>) target_semaphore(%run_scoped3A : memref<!tpu.dma_semaphore, #tpu.memory_space<semaphore_mem>>)
        %dma_wait3A = tpu.memref_slice %arg4[%add3A_52] : memref<320000xi32, #tpu.memory_space<hbm>> -> memref<80xi32, #tpu.memory_space<hbm>>
        %dma_wait3A_54 = tpu.memref_slice %arg4[%add3A_52] : memref<320000xi32, #tpu.memory_space<hbm>> -> memref<80xi32, #tpu.memory_space<hbm>>
        tpu.wait_dma2 semaphore(%run_scoped3A : memref<!tpu.dma_semaphore, #tpu.memory_space<semaphore_mem>>) src(%dma_wait3A_54 : memref<80xi32, #tpu.memory_space<hbm>>) dst(%arg8 : memref<80xi32, #tpu.memory_space<vmem>>)
        tpu.yield
      }) : () -> ()
      "tpu.region"() ({
        %run_scoped3A = tpu.sem_alloc : memref<!tpu.dma_semaphore, #tpu.memory_space<semaphore_mem>>
        %dma_start3A = arith.constant 0 : i32
        %dma_start3A_53 = tpu.memref_slice %arg2[%add3A_52, %dma_start3A] : memref<320000x128xf32, #tpu.memory_space<hbm>> -> memref<80x128xf32, #tpu.memory_space<hbm>>
        %dma_start3A_54 = arith.constant 0 : i32
        %dma_start3A_55 = tpu.memref_slice %arg2[%add3A_52, %dma_start3A_54] : memref<320000x128xf32, #tpu.memory_space<hbm>> -> memref<80x128xf32, #tpu.memory_space<hbm>>
        tpu.enqueue_dma source(%dma_start3A_55 : memref<80x128xf32, #tpu.memory_space<hbm>>) target(%arg9 : memref<80x128xf32, #tpu.memory_space<vmem>>) target_semaphore(%run_scoped3A : memref<!tpu.dma_semaphore, #tpu.memory_space<semaphore_mem>>)
        %dma_wait3A = arith.constant 0 : i32
        %dma_wait3A_56 = tpu.memref_slice %arg2[%add3A_52, %dma_wait3A] : memref<320000x128xf32, #tpu.memory_space<hbm>> -> memref<80x128xf32, #tpu.memory_space<hbm>>
        %dma_wait3A_57 = arith.constant 0 : i32
        %dma_wait3A_58 = tpu.memref_slice %arg2[%add3A_52, %dma_wait3A_57] : memref<320000x128xf32, #tpu.memory_space<hbm>> -> memref<80x128xf32, #tpu.memory_space<hbm>>
        tpu.wait_dma2 semaphore(%run_scoped3A : memref<!tpu.dma_semaphore, #tpu.memory_space<semaphore_mem>>) src(%dma_wait3A_58 : memref<80x128xf32, #tpu.memory_space<hbm>>) dst(%arg9 : memref<80x128xf32, #tpu.memory_space<vmem>>)
        tpu.yield
      }) : () -> ()
      "tpu.region"() ({
        %run_scoped3A = tpu.sem_alloc : memref<!tpu.dma_semaphore, #tpu.memory_space<semaphore_mem>>
        %dma_start3A = arith.constant 0 : i32
        %dma_start3A_53 = arith.constant 0 : i32
        %dma_start3A_54 = tpu.memref_slice %arg12[%dma_start3A, %dma_start3A_53] : memref<10240x128xf32, #tpu.memory_space<vmem_shared>> -> memref<10240x128xf32, #tpu.memory_space<vmem_shared>>
        tpu.enqueue_indirect_dma source(%arg9 : memref<80x128xf32, #tpu.memory_space<vmem>>) target(%dma_start3A_54 : memref<10240x128xf32, #tpu.memory_space<vmem_shared>>) offsets(%arg8 : memref<80xi32, #tpu.memory_space<vmem>>) semaphore(%run_scoped3A : memref<!tpu.dma_semaphore, #tpu.memory_space<semaphore_mem>>) {add = true}
        %dma_wait3A = arith.constant 0 : i32
        %dma_wait3A_55 = arith.constant 0 : i32
        %dma_wait3A_56 = tpu.memref_slice %arg12[%dma_wait3A, %dma_wait3A_55] : memref<10240x128xf32, #tpu.memory_space<vmem_shared>> -> memref<10240x128xf32, #tpu.memory_space<vmem_shared>>
        tpu.wait_indirect_dma semaphore(%run_scoped3A : memref<!tpu.dma_semaphore, #tpu.memory_space<semaphore_mem>>) src(%arg9 : memref<80x128xf32, #tpu.memory_space<vmem>>) dst(%dma_wait3A_56 : memref<10240x128xf32, #tpu.memory_space<vmem_shared>>)
        tpu.yield
      }) : () -> ()
    }
    %scan3A_12 = arith.constant 125 : i32
    %barrier3A_13 = arith.constant 0 : index
    tpu.barrier barrier_id(%barrier3A_13)
    %lt3A_14 = arith.constant 15 : i32
    %lt3A_15 = arith.cmpi slt, %arg1, %lt3A_14 : i32
    %convert_element_type3A_16 = arith.extui %lt3A_15 : i1 to i32
    %cond3A = arith.constant 0 : i32
    %cond3A_17 = arith.cmpi ne, %convert_element_type3A_16, %cond3A : i32
    scf.if %cond3A_17 {
      %mul3A_49 = arith.constant 10000 : i32
      %mul3A_50 = arith.muli %arg0, %mul3A_49 : i32
      %add3A_51 = arith.addi %mul3A_50, %mul3A_4 : i32
      "tpu.region"() ({
        %run_scoped3A = tpu.sem_alloc : memref<!tpu.dma_semaphore, #tpu.memory_space<semaphore_mem>>
        %dma_start3A = arith.constant 0 : i32
        %dma_start3A_52 = tpu.memref_slice %arg6[%add3A_51, %dma_start3A] : memref<20000x128xf32, #tpu.memory_space<hbm>> -> memref<640x128xf32, #tpu.memory_space<hbm>>
        %dma_start3A_53 = arith.constant 0 : i32
        %dma_start3A_54 = tpu.memref_slice %arg12[%mul3A_4, %dma_start3A_53] : memref<10240x128xf32, #tpu.memory_space<vmem_shared>> -> memref<640x128xf32, #tpu.memory_space<vmem_shared>>
        tpu.enqueue_dma source(%dma_start3A_54 : memref<640x128xf32, #tpu.memory_space<vmem_shared>>) target(%dma_start3A_52 : memref<640x128xf32, #tpu.memory_space<hbm>>) target_semaphore(%run_scoped3A : memref<!tpu.dma_semaphore, #tpu.memory_space<semaphore_mem>>)
        %dma_wait3A = arith.constant 0 : i32
        %dma_wait3A_55 = tpu.memref_slice %arg6[%add3A_51, %dma_wait3A] : memref<20000x128xf32, #tpu.memory_space<hbm>> -> memref<640x128xf32, #tpu.memory_space<hbm>>
        %dma_wait3A_56 = arith.constant 0 : i32
        %dma_wait3A_57 = tpu.memref_slice %arg12[%mul3A_4, %dma_wait3A_56] : memref<10240x128xf32, #tpu.memory_space<vmem_shared>> -> memref<640x128xf32, #tpu.memory_space<vmem_shared>>
        tpu.wait_dma2 semaphore(%run_scoped3A : memref<!tpu.dma_semaphore, #tpu.memory_space<semaphore_mem>>) src(%dma_wait3A_57 : memref<640x128xf32, #tpu.memory_space<vmem_shared>>) dst(%dma_wait3A_55 : memref<640x128xf32, #tpu.memory_space<hbm>>)
        tpu.yield
      }) : () -> ()
    } else {
    }
    %eq3A = arith.constant 15 : i32
    %eq3A_18 = arith.cmpi eq, %arg1, %eq3A : i32
    %convert_element_type3A_19 = arith.extui %eq3A_18 : i1 to i32
    %cond3A_20 = arith.constant 0 : i32
    %cond3A_21 = arith.cmpi ne, %convert_element_type3A_19, %cond3A_20 : i32
    scf.if %cond3A_21 {
      %mul3A_49 = arith.constant 10000 : i32
      %mul3A_50 = arith.muli %arg0, %mul3A_49 : i32
      %add3A_51 = arith.constant 9600 : i32
      %add3A_52 = arith.addi %mul3A_50, %add3A_51 : i32
      "tpu.region"() ({
        %run_scoped3A = tpu.sem_alloc : memref<!tpu.dma_semaphore, #tpu.memory_space<semaphore_mem>>
        %dma_start3A = arith.constant 0 : i32
        %dma_start3A_53 = tpu.memref_slice %arg6[%add3A_52, %dma_start3A] : memref<20000x128xf32, #tpu.memory_space<hbm>> -> memref<400x128xf32, #tpu.memory_space<hbm>>
        %dma_start3A_54 = arith.constant 9600 : i32
        %dma_start3A_55 = arith.constant 0 : i32
        %dma_start3A_56 = tpu.memref_slice %arg12[%dma_start3A_54, %dma_start3A_55] : memref<10240x128xf32, #tpu.memory_space<vmem_shared>> -> memref<400x128xf32, #tpu.memory_space<vmem_shared>>
        tpu.enqueue_dma source(%dma_start3A_56 : memref<400x128xf32, #tpu.memory_space<vmem_shared>>) target(%dma_start3A_53 : memref<400x128xf32, #tpu.memory_space<hbm>>) target_semaphore(%run_scoped3A : memref<!tpu.dma_semaphore, #tpu.memory_space<semaphore_mem>>)
        %dma_wait3A = arith.constant 0 : i32
        %dma_wait3A_57 = tpu.memref_slice %arg6[%add3A_52, %dma_wait3A] : memref<20000x128xf32, #tpu.memory_space<hbm>> -> memref<400x128xf32, #tpu.memory_space<hbm>>
        %dma_wait3A_58 = arith.constant 9600 : i32
        %dma_wait3A_59 = arith.constant 0 : i32
        %dma_wait3A_60 = tpu.memref_slice %arg12[%dma_wait3A_58, %dma_wait3A_59] : memref<10240x128xf32, #tpu.memory_space<vmem_shared>> -> memref<400x128xf32, #tpu.memory_space<vmem_shared>>
        tpu.wait_dma2 semaphore(%run_scoped3A : memref<!tpu.dma_semaphore, #tpu.memory_space<semaphore_mem>>) src(%dma_wait3A_60 : memref<400x128xf32, #tpu.memory_space<vmem_shared>>) dst(%dma_wait3A_57 : memref<400x128xf32, #tpu.memory_space<hbm>>)
        tpu.yield
      }) : () -> ()
    } else {
    }
    %barrier3A_22 = arith.constant 0 : index
    tpu.barrier barrier_id(%barrier3A_22)
    "tpu.region"() ({
      %run_scoped3A = tpu.sem_alloc : memref<!tpu.dma_semaphore, #tpu.memory_space<semaphore_mem>>
      %dma_start3A = arith.constant 0 : i32
      %dma_start3A_49 = tpu.memref_slice %arg12[%mul3A_4, %dma_start3A] : memref<10240x128xf32, #tpu.memory_space<vmem_shared>> -> memref<640x128xf32, #tpu.memory_space<vmem_shared>>
      tpu.enqueue_dma source(%arg5 : memref<640x128xf32, #tpu.memory_space<hbm>>) target(%dma_start3A_49 : memref<640x128xf32, #tpu.memory_space<vmem_shared>>) target_semaphore(%run_scoped3A : memref<!tpu.dma_semaphore, #tpu.memory_space<semaphore_mem>>)
      %dma_wait3A = arith.constant 0 : i32
      %dma_wait3A_50 = tpu.memref_slice %arg12[%mul3A_4, %dma_wait3A] : memref<10240x128xf32, #tpu.memory_space<vmem_shared>> -> memref<640x128xf32, #tpu.memory_space<vmem_shared>>
      tpu.wait_dma2 semaphore(%run_scoped3A : memref<!tpu.dma_semaphore, #tpu.memory_space<semaphore_mem>>) src(%arg5 : memref<640x128xf32, #tpu.memory_space<hbm>>) dst(%dma_wait3A_50 : memref<640x128xf32, #tpu.memory_space<vmem_shared>>)
      tpu.yield
    }) : () -> ()
    %broadcast_in_dim3A = arith.constant 0.000000e+00 : f32
    %broadcast_in_dim3A_23 = vector.broadcast %broadcast_in_dim3A : f32 to vector<16xf32>
    %swap3A = arith.constant 640 : index
    %swap3A_24 = tpu.vector_load %arg10[%swap3A] {strides = array<i32>} : memref<656xf32, #tpu.memory_space<vmem>>, vector<16xf32>,
    tpu.vector_store %arg10[%swap3A], %broadcast_in_dim3A_23 {strides = array<i32>} : memref<656xf32, #tpu.memory_space<vmem>>, vector<16xf32>,
    %scan3A_25 = arith.constant 0 : i32
    %scan3A_26 = arith.constant 0 : i32
    %scan3A_27 = arith.constant 80 : i32
    %scan3A_28 = arith.addi %scan3A_26, %scan3A_27 : i32
    %scan3A_29 = arith.constant 1 : i32
    scf.for %scan3A_49 = %scan3A_26 to %scan3A_28 step %scan3A_29  : i32 {
      %broadcast_in_dim3A_50 = arith.constant 0.000000e+00 : f32
      %broadcast_in_dim3A_51 = vector.broadcast %broadcast_in_dim3A_50 : f32 to vector<16xf32>
      %swap3A_52 = arith.index_cast %scan3A_49 : i32 to index
      %swap3A_53 = arith.constant 0 : index
      %swap3A_54 = tpu.vector_load %arg11[%swap3A_52, %swap3A_53] {strides = array<i32>} : memref<80x128xf32, #tpu.memory_space<vmem>>, vector<16xf32>,
      tpu.vector_store %arg11[%swap3A_52, %swap3A_53], %broadcast_in_dim3A_51 {strides = array<i32>} : memref<80x128xf32, #tpu.memory_space<vmem>>, vector<16xf32>,
      %broadcast_in_dim3A_55 = arith.constant 0.000000e+00 : f32
      %broadcast_in_dim3A_56 = vector.broadcast %broadcast_in_dim3A_55 : f32 to vector<16xf32>
      %swap3A_57 = arith.index_cast %scan3A_49 : i32 to index
      %swap3A_58 = arith.constant 16 : index
      %swap3A_59 = tpu.vector_load %arg11[%swap3A_57, %swap3A_58] {strides = array<i32>} : memref<80x128xf32, #tpu.memory_space<vmem>>, vector<16xf32>,
      tpu.vector_store %arg11[%swap3A_57, %swap3A_58], %broadcast_in_dim3A_56 {strides = array<i32>} : memref<80x128xf32, #tpu.memory_space<vmem>>, vector<16xf32>,
      %broadcast_in_dim3A_60 = arith.constant 0.000000e+00 : f32
      %broadcast_in_dim3A_61 = vector.broadcast %broadcast_in_dim3A_60 : f32 to vector<16xf32>
      %swap3A_62 = arith.index_cast %scan3A_49 : i32 to index
      %swap3A_63 = arith.constant 32 : index
      %swap3A_64 = tpu.vector_load %arg11[%swap3A_62, %swap3A_63] {strides = array<i32>} : memref<80x128xf32, #tpu.memory_space<vmem>>, vector<16xf32>,
      tpu.vector_store %arg11[%swap3A_62, %swap3A_63], %broadcast_in_dim3A_61 {strides = array<i32>} : memref<80x128xf32, #tpu.memory_space<vmem>>, vector<16xf32>,
      %broadcast_in_dim3A_65 = arith.constant 0.000000e+00 : f32
      %broadcast_in_dim3A_66 = vector.broadcast %broadcast_in_dim3A_65 : f32 to vector<16xf32>
      %swap3A_67 = arith.index_cast %scan3A_49 : i32 to index
      %swap3A_68 = arith.constant 48 : index
      %swap3A_69 = tpu.vector_load %arg11[%swap3A_67, %swap3A_68] {strides = array<i32>} : memref<80x128xf32, #tpu.memory_space<vmem>>, vector<16xf32>,
      tpu.vector_store %arg11[%swap3A_67, %swap3A_68], %broadcast_in_dim3A_66 {strides = array<i32>} : memref<80x128xf32, #tpu.memory_space<vmem>>, vector<16xf32>,
      %broadcast_in_dim3A_70 = arith.constant 0.000000e+00 : f32
      %broadcast_in_dim3A_71 = vector.broadcast %broadcast_in_dim3A_70 : f32 to vector<16xf32>
      %swap3A_72 = arith.index_cast %scan3A_49 : i32 to index
      %swap3A_73 = arith.constant 64 : index
      %swap3A_74 = tpu.vector_load %arg11[%swap3A_72, %swap3A_73] {strides = array<i32>} : memref<80x128xf32, #tpu.memory_space<vmem>>, vector<16xf32>,
      tpu.vector_store %arg11[%swap3A_72, %swap3A_73], %broadcast_in_dim3A_71 {strides = array<i32>} : memref<80x128xf32, #tpu.memory_space<vmem>>, vector<16xf32>,
      %broadcast_in_dim3A_75 = arith.constant 0.000000e+00 : f32
      %broadcast_in_dim3A_76 = vector.broadcast %broadcast_in_dim3A_75 : f32 to vector<16xf32>
      %swap3A_77 = arith.index_cast %scan3A_49 : i32 to index
      %swap3A_78 = arith.constant 80 : index
      %swap3A_79 = tpu.vector_load %arg11[%swap3A_77, %swap3A_78] {strides = array<i32>} : memref<80x128xf32, #tpu.memory_space<vmem>>, vector<16xf32>,
      tpu.vector_store %arg11[%swap3A_77, %swap3A_78], %broadcast_in_dim3A_76 {strides = array<i32>} : memref<80x128xf32, #tpu.memory_space<vmem>>, vector<16xf32>,
      %broadcast_in_dim3A_80 = arith.constant 0.000000e+00 : f32
      %broadcast_in_dim3A_81 = vector.broadcast %broadcast_in_dim3A_80 : f32 to vector<16xf32>
      %swap3A_82 = arith.index_cast %scan3A_49 : i32 to index
      %swap3A_83 = arith.constant 96 : index
      %swap3A_84 = tpu.vector_load %arg11[%swap3A_82, %swap3A_83] {strides = array<i32>} : memref<80x128xf32, #tpu.memory_space<vmem>>, vector<16xf32>,
      tpu.vector_store %arg11[%swap3A_82, %swap3A_83], %broadcast_in_dim3A_81 {strides = array<i32>} : memref<80x128xf32, #tpu.memory_space<vmem>>, vector<16xf32>,
      %broadcast_in_dim3A_85 = arith.constant 0.000000e+00 : f32
      %broadcast_in_dim3A_86 = vector.broadcast %broadcast_in_dim3A_85 : f32 to vector<16xf32>
      %swap3A_87 = arith.index_cast %scan3A_49 : i32 to index
      %swap3A_88 = arith.constant 112 : index
      %swap3A_89 = tpu.vector_load %arg11[%swap3A_87, %swap3A_88] {strides = array<i32>} : memref<80x128xf32, #tpu.memory_space<vmem>>, vector<16xf32>,
      tpu.vector_store %arg11[%swap3A_87, %swap3A_88], %broadcast_in_dim3A_86 {strides = array<i32>} : memref<80x128xf32, #tpu.memory_space<vmem>>, vector<16xf32>,
    }
    %scan3A_30 = arith.constant 80 : i32
    %barrier3A_31 = arith.constant 0 : index
    tpu.barrier barrier_id(%barrier3A_31)
    %scan3A_32 = arith.constant 0 : i32
    %scan3A_33 = arith.constant 0 : i32
    %scan3A_34 = arith.constant 125 : i32
    %scan3A_35 = arith.addi %scan3A_33, %scan3A_34 : i32
    %scan3A_36 = arith.constant 1 : i32
    scf.for %scan3A_49 = %scan3A_33 to %scan3A_35 step %scan3A_36  : i32 {
      %mul3A_50 = arith.constant 80 : i32
      %mul3A_51 = arith.muli %scan3A_49, %mul3A_50 : i32
      %add3A_52 = arith.addi %mul3A_2, %mul3A_51 : i32
      "tpu.region"() ({
        %run_scoped3A = tpu.sem_alloc : memref<!tpu.dma_semaphore, #tpu.memory_space<semaphore_mem>>
        %dma_start3A = tpu.memref_slice %arg4[%add3A_52] : memref<320000xi32, #tpu.memory_space<hbm>> -> memref<80xi32, #tpu.memory_space<hbm>>
        %dma_start3A_61 = tpu.memref_slice %arg4[%add3A_52] : memref<320000xi32, #tpu.memory_space<hbm>> -> memref<80xi32, #tpu.memory_space<hbm>>
        tpu.enqueue_dma source(%dma_start3A_61 : memref<80xi32, #tpu.memory_space<hbm>>) target(%arg8 : memref<80xi32, #tpu.memory_space<vmem>>) target_semaphore(%run_scoped3A : memref<!tpu.dma_semaphore, #tpu.memory_space<semaphore_mem>>)
        %dma_wait3A = tpu.memref_slice %arg4[%add3A_52] : memref<320000xi32, #tpu.memory_space<hbm>> -> memref<80xi32, #tpu.memory_space<hbm>>
        %dma_wait3A_62 = tpu.memref_slice %arg4[%add3A_52] : memref<320000xi32, #tpu.memory_space<hbm>> -> memref<80xi32, #tpu.memory_space<hbm>>
        tpu.wait_dma2 semaphore(%run_scoped3A : memref<!tpu.dma_semaphore, #tpu.memory_space<semaphore_mem>>) src(%dma_wait3A_62 : memref<80xi32, #tpu.memory_space<hbm>>) dst(%arg8 : memref<80xi32, #tpu.memory_space<vmem>>)
        tpu.yield
      }) : () -> ()
      %mul3A_53 = arith.constant 8 : i32
      %mul3A_54 = arith.muli %add3A_52, %mul3A_53 : i32
      "tpu.region"() ({
        %run_scoped3A = tpu.sem_alloc : memref<!tpu.dma_semaphore, #tpu.memory_space<semaphore_mem>>
        %dma_start3A = arith.constant 0 : i32
        %dma_start3A_61 = tpu.memref_slice %arg10[%dma_start3A] : memref<656xf32, #tpu.memory_space<vmem>> -> memref<640xf32, #tpu.memory_space<vmem>>
        %dma_start3A_62 = tpu.memref_slice %arg3[%mul3A_54] : memref<2560000xf32, #tpu.memory_space<hbm>> -> memref<640xf32, #tpu.memory_space<hbm>>
        %dma_start3A_63 = arith.constant 0 : i32
        %dma_start3A_64 = tpu.memref_slice %arg10[%dma_start3A_63] : memref<656xf32, #tpu.memory_space<vmem>> -> memref<640xf32, #tpu.memory_space<vmem>>
        %dma_start3A_65 = tpu.memref_slice %arg3[%mul3A_54] : memref<2560000xf32, #tpu.memory_space<hbm>> -> memref<640xf32, #tpu.memory_space<hbm>>
        tpu.enqueue_dma source(%dma_start3A_65 : memref<640xf32, #tpu.memory_space<hbm>>) target(%dma_start3A_64 : memref<640xf32, #tpu.memory_space<vmem>>) target_semaphore(%run_scoped3A : memref<!tpu.dma_semaphore, #tpu.memory_space<semaphore_mem>>)
        %dma_wait3A = arith.constant 0 : i32
        %dma_wait3A_66 = tpu.memref_slice %arg10[%dma_wait3A] : memref<656xf32, #tpu.memory_space<vmem>> -> memref<640xf32, #tpu.memory_space<vmem>>
        %dma_wait3A_67 = tpu.memref_slice %arg3[%mul3A_54] : memref<2560000xf32, #tpu.memory_space<hbm>> -> memref<640xf32, #tpu.memory_space<hbm>>
        %dma_wait3A_68 = arith.constant 0 : i32
        %dma_wait3A_69 = tpu.memref_slice %arg10[%dma_wait3A_68] : memref<656xf32, #tpu.memory_space<vmem>> -> memref<640xf32, #tpu.memory_space<vmem>>
        %dma_wait3A_70 = tpu.memref_slice %arg3[%mul3A_54] : memref<2560000xf32, #tpu.memory_space<hbm>> -> memref<640xf32, #tpu.memory_space<hbm>>
        tpu.wait_dma2 semaphore(%run_scoped3A : memref<!tpu.dma_semaphore, #tpu.memory_space<semaphore_mem>>) src(%dma_wait3A_70 : memref<640xf32, #tpu.memory_space<hbm>>) dst(%dma_wait3A_69 : memref<640xf32, #tpu.memory_space<vmem>>)
        tpu.yield
      }) : () -> ()
      %scan3A_55 = arith.constant 0 : i32
      %scan3A_56 = arith.constant 0 : i32
      %scan3A_57 = arith.constant 80 : i32
      %scan3A_58 = arith.addi %scan3A_56, %scan3A_57 : i32
      %scan3A_59 = arith.constant 1 : i32
      scf.for %scan3A_61 = %scan3A_56 to %scan3A_58 step %scan3A_59  : i32 {
        %mul3A_62 = arith.constant 8 : i32
        %mul3A_63 = arith.muli %scan3A_61, %mul3A_62 : i32
        %get3A = arith.index_cast %mul3A_63 : i32 to index
        %get3A_64 = tpu.vector_load %arg10[%get3A] {strides = array<i32>} : memref<656xf32, #tpu.memory_space<vmem>>, vector<16xf32>,
        %mul3A_65 = arith.mulf %get3A_64, %convert_element_type3A_7 : vector<16xf32>
        %swap3A_66 = arith.index_cast %scan3A_61 : i32 to index
        %swap3A_67 = arith.constant 0 : index
        %swap3A_68 = tpu.vector_load %arg11[%swap3A_66, %swap3A_67] {strides = array<i32>} : memref<80x128xf32, #tpu.memory_space<vmem>>, vector<16xf32>,
        tpu.vector_store %arg11[%swap3A_66, %swap3A_67], %mul3A_65 {strides = array<i32>} : memref<80x128xf32, #tpu.memory_space<vmem>>, vector<16xf32>,
      }
      %scan3A_60 = arith.constant 80 : i32
      "tpu.region"() ({
        %run_scoped3A = tpu.sem_alloc : memref<!tpu.dma_semaphore, #tpu.memory_space<semaphore_mem>>
        %dma_start3A = arith.constant 0 : i32
        %dma_start3A_61 = arith.constant 0 : i32
        %dma_start3A_62 = tpu.memref_slice %arg12[%dma_start3A, %dma_start3A_61] : memref<10240x128xf32, #tpu.memory_space<vmem_shared>> -> memref<10240x128xf32, #tpu.memory_space<vmem_shared>>
        tpu.enqueue_indirect_dma source(%arg11 : memref<80x128xf32, #tpu.memory_space<vmem>>) target(%dma_start3A_62 : memref<10240x128xf32, #tpu.memory_space<vmem_shared>>) offsets(%arg8 : memref<80xi32, #tpu.memory_space<vmem>>) semaphore(%run_scoped3A : memref<!tpu.dma_semaphore, #tpu.memory_space<semaphore_mem>>) {add = true}
        %dma_wait3A = arith.constant 0 : i32
        %dma_wait3A_63 = arith.constant 0 : i32
        %dma_wait3A_64 = tpu.memref_slice %arg12[%dma_wait3A, %dma_wait3A_63] : memref<10240x128xf32, #tpu.memory_space<vmem_shared>> -> memref<10240x128xf32, #tpu.memory_space<vmem_shared>>
        tpu.wait_indirect_dma semaphore(%run_scoped3A : memref<!tpu.dma_semaphore, #tpu.memory_space<semaphore_mem>>) src(%arg11 : memref<80x128xf32, #tpu.memory_space<vmem>>) dst(%dma_wait3A_64 : memref<10240x128xf32, #tpu.memory_space<vmem_shared>>)
        tpu.yield
      }) : () -> ()
    }
    %scan3A_37 = arith.constant 125 : i32
    %barrier3A_38 = arith.constant 0 : index
    tpu.barrier barrier_id(%barrier3A_38)
    %lt3A_39 = arith.constant 15 : i32
    %lt3A_40 = arith.cmpi slt, %arg1, %lt3A_39 : i32
    %convert_element_type3A_41 = arith.extui %lt3A_40 : i1 to i32
    %cond3A_42 = arith.constant 0 : i32
    %cond3A_43 = arith.cmpi ne, %convert_element_type3A_41, %cond3A_42 : i32
    scf.if %cond3A_43 {
      %mul3A_49 = arith.constant 10000 : i32
      %mul3A_50 = arith.muli %arg0, %mul3A_49 : i32
      %add3A_51 = arith.addi %mul3A_50, %mul3A_4 : i32
      "tpu.region"() ({
        %run_scoped3A = tpu.sem_alloc : memref<!tpu.dma_semaphore, #tpu.memory_space<semaphore_mem>>
        %dma_start3A = arith.constant 0 : i32
        %dma_start3A_52 = tpu.memref_slice %arg7[%add3A_51, %dma_start3A] : memref<20000x128xf32, #tpu.memory_space<hbm>> -> memref<640x128xf32, #tpu.memory_space<hbm>>
        %dma_start3A_53 = arith.constant 0 : i32
        %dma_start3A_54 = tpu.memref_slice %arg12[%mul3A_4, %dma_start3A_53] : memref<10240x128xf32, #tpu.memory_space<vmem_shared>> -> memref<640x128xf32, #tpu.memory_space<vmem_shared>>
        tpu.enqueue_dma source(%dma_start3A_54 : memref<640x128xf32, #tpu.memory_space<vmem_shared>>) target(%dma_start3A_52 : memref<640x128xf32, #tpu.memory_space<hbm>>) target_semaphore(%run_scoped3A : memref<!tpu.dma_semaphore, #tpu.memory_space<semaphore_mem>>)
        %dma_wait3A = arith.constant 0 : i32
        %dma_wait3A_55 = tpu.memref_slice %arg7[%add3A_51, %dma_wait3A] : memref<20000x128xf32, #tpu.memory_space<hbm>> -> memref<640x128xf32, #tpu.memory_space<hbm>>
        %dma_wait3A_56 = arith.constant 0 : i32
        %dma_wait3A_57 = tpu.memref_slice %arg12[%mul3A_4, %dma_wait3A_56] : memref<10240x128xf32, #tpu.memory_space<vmem_shared>> -> memref<640x128xf32, #tpu.memory_space<vmem_shared>>
        tpu.wait_dma2 semaphore(%run_scoped3A : memref<!tpu.dma_semaphore, #tpu.memory_space<semaphore_mem>>) src(%dma_wait3A_57 : memref<640x128xf32, #tpu.memory_space<vmem_shared>>) dst(%dma_wait3A_55 : memref<640x128xf32, #tpu.memory_space<hbm>>)
        tpu.yield
      }) : () -> ()
    } else {
    }
    %eq3A_44 = arith.constant 15 : i32
    %eq3A_45 = arith.cmpi eq, %arg1, %eq3A_44 : i32
    %convert_element_type3A_46 = arith.extui %eq3A_45 : i1 to i32
    %cond3A_47 = arith.constant 0 : i32
    %cond3A_48 = arith.cmpi ne, %convert_element_type3A_46, %cond3A_47 : i32
    scf.if %cond3A_48 {
      %mul3A_49 = arith.constant 10000 : i32
      %mul3A_50 = arith.muli %arg0, %mul3A_49 : i32
      %add3A_51 = arith.constant 9600 : i32
      %add3A_52 = arith.addi %mul3A_50, %add3A_51 : i32
      "tpu.region"() ({
        %run_scoped3A = tpu.sem_alloc : memref<!tpu.dma_semaphore, #tpu.memory_space<semaphore_mem>>
        %dma_start3A = arith.constant 0 : i32
        %dma_start3A_53 = tpu.memref_slice %arg7[%add3A_52, %dma_start3A] : memref<20000x128xf32, #tpu.memory_space<hbm>> -> memref<400x128xf32, #tpu.memory_space<hbm>>
        %dma_start3A_54 = arith.constant 9600 : i32
        %dma_start3A_55 = arith.constant 0 : i32
        %dma_start3A_56 = tpu.memref_slice %arg12[%dma_start3A_54, %dma_start3A_55] : memref<10240x128xf32, #tpu.memory_space<vmem_shared>> -> memref<400x128xf32, #tpu.memory_space<vmem_shared>>
        tpu.enqueue_dma source(%dma_start3A_56 : memref<400x128xf32, #tpu.memory_space<vmem_shared>>) target(%dma_start3A_53 : memref<400x128xf32, #tpu.memory_space<hbm>>) target_semaphore(%run_scoped3A : memref<!tpu.dma_semaphore, #tpu.memory_space<semaphore_mem>>)
        %dma_wait3A = arith.constant 0 : i32
        %dma_wait3A_57 = tpu.memref_slice %arg7[%add3A_52, %dma_wait3A] : memref<20000x128xf32, #tpu.memory_space<hbm>> -> memref<400x128xf32, #tpu.memory_space<hbm>>
        %dma_wait3A_58 = arith.constant 9600 : i32
        %dma_wait3A_59 = arith.constant 0 : i32
        %dma_wait3A_60 = tpu.memref_slice %arg12[%dma_wait3A_58, %dma_wait3A_59] : memref<10240x128xf32, #tpu.memory_space<vmem_shared>> -> memref<400x128xf32, #tpu.memory_space<vmem_shared>>
        tpu.wait_dma2 semaphore(%run_scoped3A : memref<!tpu.dma_semaphore, #tpu.memory_space<semaphore_mem>>) src(%dma_wait3A_60 : memref<400x128xf32, #tpu.memory_space<vmem_shared>>) dst(%dma_wait3A_57 : memref<400x128xf32, #tpu.memory_space<hbm>>)
        tpu.yield
      }) : () -> ()
    } else {
    }
    return
  }
}

module attributes {stable_mosaic.version = 14 : i64} {
  func.func @_k1_body(%arg0: i32, %arg1: memref<2000x128xf32, #tpu.memory_space<vmem>>, %arg2: memref<128x128xf32, #tpu.memory_space<vmem>>, %arg3: memref<1x128xf32, #tpu.memory_space<vmem>>, %arg4: memref<1x128xf32, #tpu.memory_space<vmem>>, %arg5: memref<1x128xf32, #tpu.memory_space<vmem>>, %arg6: memref<128x128xf32, #tpu.memory_space<vmem>>, %arg7: memref<1x128xf32, #tpu.memory_space<vmem>>, %arg8: memref<2000x128xf32, #tpu.memory_space<vmem>>) attributes {dimension_semantics = [#tpu.dimension_semantics<arbitrary>], iteration_bounds = array<i64: 5>, scalar_prefetch = 0 : i64, scratch_operands = 0 : i64, tpu.core_type = #tpu.core_type<tc>, window_params = [{transform_indices = @transform_0, window_bounds = array<i64: 2000, 128>}, {pipeline_mode = #tpu.pipeline_mode<synchronous>, transform_indices = @transform_1, window_bounds = array<i64: 128, 128>}, {pipeline_mode = #tpu.pipeline_mode<synchronous>, transform_indices = @transform_2, window_bounds = array<i64: 1, 128>}, {pipeline_mode = #tpu.pipeline_mode<synchronous>, transform_indices = @transform_3, window_bounds = array<i64: 1, 128>}, {pipeline_mode = #tpu.pipeline_mode<synchronous>, transform_indices = @transform_4, window_bounds = array<i64: 1, 128>}, {pipeline_mode = #tpu.pipeline_mode<synchronous>, transform_indices = @transform_5, window_bounds = array<i64: 128, 128>}, {pipeline_mode = #tpu.pipeline_mode<synchronous>, transform_indices = @transform_6, window_bounds = array<i64: 1, 128>}, {transform_indices = @transform_7, window_bounds = array<i64: 2000, 128>}]} {
    %get3A = arith.constant 0 : index
    %get3A_0 = arith.constant 0 : index
    %get3A_1 = vector.load %arg1[%get3A, %get3A_0] : memref<2000x128xf32, #tpu.memory_space<vmem>>, vector<2000x128xf32>
    %get3A_2 = arith.constant 0 : index
    %get3A_3 = arith.constant 0 : index
    %get3A_4 = vector.load %arg2[%get3A_2, %get3A_3] : memref<128x128xf32, #tpu.memory_space<vmem>>, vector<128x128xf32>
    %dot_general3A = arith.constant dense<0.000000e+00> : vector<2000x128xf32>
    %dot_general3A_5 = tpu.matmul %get3A_1, %get3A_4, %dot_general3A {dimension_numbers = #tpu.dot_dimension_numbers<[1], [0], [0], [1], [0, 0, 1, 1], [], []>, transpose_lhs_hint = false} : vector<2000x128xf32>, vector<128x128xf32>, vector<2000x128xf32> -> vector<2000x128xf32>
    %get3A_6 = arith.constant 0 : index
    %get3A_7 = arith.constant 0 : index
    %get3A_8 = vector.load %arg3[%get3A_6, %get3A_7] : memref<1x128xf32, #tpu.memory_space<vmem>>, vector<1x128xf32>
    %add3A = vector.broadcast %get3A_8 : vector<1x128xf32> to vector<2000x128xf32>
    %add3A_9 = arith.addf %dot_general3A_5, %add3A : vector<2000x128xf32>
    %get3A_10 = arith.constant 0 : index
    %get3A_11 = arith.constant 0 : index
    %get3A_12 = vector.load %arg4[%get3A_10, %get3A_11] : memref<1x128xf32, #tpu.memory_space<vmem>>, vector<1x128xf32>
    %get3A_13 = arith.constant 0 : index
    %get3A_14 = arith.constant 0 : index
    %get3A_15 = vector.load %arg5[%get3A_13, %get3A_14] : memref<1x128xf32, #tpu.memory_space<vmem>>, vector<1x128xf32>
    %reduce_sum3A = arith.constant dense<0.000000e+00> : vector<2000xf32>
    %reduce_sum3A_16 = vector.multi_reduction <add>, %add3A_9, %reduce_sum3A [1] : vector<2000x128xf32> to vector<2000xf32>
    %broadcast_in_dim3A = vector.shape_cast %reduce_sum3A_16 : vector<2000xf32> to vector<2000x1xf32>
    %div3A = arith.constant 1.280000e+02 : f32
    %div3A_17 = vector.broadcast %div3A : f32 to vector<2000x1xf32>
    %div3A_18 = arith.divf %broadcast_in_dim3A, %div3A_17 : vector<2000x1xf32>
    %sub3A = vector.broadcast %div3A_18 : vector<2000x1xf32> to vector<2000x128xf32>
    %sub3A_19 = arith.subf %add3A_9, %sub3A : vector<2000x128xf32>
    %sub3A_20 = vector.broadcast %div3A_18 : vector<2000x1xf32> to vector<2000x128xf32>
    %sub3A_21 = arith.subf %add3A_9, %sub3A_20 : vector<2000x128xf32>
    %mul3A = arith.mulf %sub3A_19, %sub3A_21 : vector<2000x128xf32>
    %reduce_sum3A_22 = arith.constant dense<0.000000e+00> : vector<2000xf32>
    %reduce_sum3A_23 = vector.multi_reduction <add>, %mul3A, %reduce_sum3A_22 [1] : vector<2000x128xf32> to vector<2000xf32>
    %broadcast_in_dim3A_24 = vector.shape_cast %reduce_sum3A_23 : vector<2000xf32> to vector<2000x1xf32>
    %div3A_25 = arith.constant 1.280000e+02 : f32
    %div3A_26 = vector.broadcast %div3A_25 : f32 to vector<2000x1xf32>
    %div3A_27 = arith.divf %broadcast_in_dim3A_24, %div3A_26 : vector<2000x1xf32>
    %sub3A_28 = vector.broadcast %div3A_18 : vector<2000x1xf32> to vector<2000x128xf32>
    %sub3A_29 = arith.subf %add3A_9, %sub3A_28 : vector<2000x128xf32>
    %add3A_30 = arith.constant 9.99999974E-6 : f32
    %add3A_31 = vector.broadcast %add3A_30 : f32 to vector<2000x1xf32>
    %add3A_32 = arith.addf %div3A_27, %add3A_31 : vector<2000x1xf32>
    %sqrt3A = math.sqrt %add3A_32 : vector<2000x1xf32>
    %div3A_33 = vector.broadcast %sqrt3A : vector<2000x1xf32> to vector<2000x128xf32>
    %div3A_34 = arith.divf %sub3A_29, %div3A_33 : vector<2000x128xf32>
    %mul3A_35 = vector.broadcast %get3A_12 : vector<1x128xf32> to vector<2000x128xf32>
    %mul3A_36 = arith.mulf %div3A_34, %mul3A_35 : vector<2000x128xf32>
    %add3A_37 = vector.broadcast %get3A_15 : vector<1x128xf32> to vector<2000x128xf32>
    %add3A_38 = arith.addf %mul3A_36, %add3A_37 : vector<2000x128xf32>
    %max3A = arith.constant 0.000000e+00 : f32
    %max3A_39 = vector.broadcast %max3A : f32 to vector<2000x128xf32>
    %max3A_40 = arith.maximumf %add3A_38, %max3A_39 : vector<2000x128xf32>
    %get3A_41 = arith.constant 0 : index
    %get3A_42 = arith.constant 0 : index
    %get3A_43 = vector.load %arg6[%get3A_41, %get3A_42] : memref<128x128xf32, #tpu.memory_space<vmem>>, vector<128x128xf32>
    %dot_general3A_44 = arith.constant dense<0.000000e+00> : vector<2000x128xf32>
    %dot_general3A_45 = tpu.matmul %max3A_40, %get3A_43, %dot_general3A_44 {dimension_numbers = #tpu.dot_dimension_numbers<[1], [0], [0], [1], [0, 0, 1, 1], [], []>, transpose_lhs_hint = false} : vector<2000x128xf32>, vector<128x128xf32>, vector<2000x128xf32> -> vector<2000x128xf32>
    %get3A_46 = arith.constant 0 : index
    %get3A_47 = arith.constant 0 : index
    %get3A_48 = vector.load %arg7[%get3A_46, %get3A_47] : memref<1x128xf32, #tpu.memory_space<vmem>>, vector<1x128xf32>
    %add3A_49 = vector.broadcast %get3A_48 : vector<1x128xf32> to vector<2000x128xf32>
    %add3A_50 = arith.addf %dot_general3A_45, %add3A_49 : vector<2000x128xf32>
    %swap3A = arith.constant 0 : index
    %swap3A_51 = arith.constant 0 : index
    %swap3A_52 = vector.load %arg8[%swap3A, %swap3A_51] : memref<2000x128xf32, #tpu.memory_space<vmem>>, vector<2000x128xf32>
    tpu.vector_store %arg8[%swap3A, %swap3A_51], %add3A_50 {strides = array<i32>} : memref<2000x128xf32, #tpu.memory_space<vmem>>, vector<2000x128xf32>,
    return
  }
  func.func @transform_0(%arg0: i32) -> (i32, i32) {
    %c0_i32 = arith.constant 0 : i32
    %c0_i32_0 = arith.constant 0 : i32
    return %arg0, %c0_i32 : i32, i32
  }
  func.func @transform_1(%arg0: i32) -> (i32, i32) {
    %c0_i32 = arith.constant 0 : i32
    %c0_i32_0 = arith.constant 0 : i32
    %c0_i32_1 = arith.constant 0 : i32
    return %c0_i32, %c0_i32_0 : i32, i32
  }
  func.func @transform_2(%arg0: i32) -> (i32, i32) {
    %c0_i32 = arith.constant 0 : i32
    %c0_i32_0 = arith.constant 0 : i32
    %c0_i32_1 = arith.constant 0 : i32
    return %c0_i32, %c0_i32_0 : i32, i32
  }
  func.func @transform_3(%arg0: i32) -> (i32, i32) {
    %c0_i32 = arith.constant 0 : i32
    %c0_i32_0 = arith.constant 0 : i32
    %c0_i32_1 = arith.constant 0 : i32
    return %c0_i32, %c0_i32_0 : i32, i32
  }
  func.func @transform_4(%arg0: i32) -> (i32, i32) {
    %c0_i32 = arith.constant 0 : i32
    %c0_i32_0 = arith.constant 0 : i32
    %c0_i32_1 = arith.constant 0 : i32
    return %c0_i32, %c0_i32_0 : i32, i32
  }
  func.func @transform_5(%arg0: i32) -> (i32, i32) {
    %c0_i32 = arith.constant 0 : i32
    %c0_i32_0 = arith.constant 0 : i32
    %c0_i32_1 = arith.constant 0 : i32
    return %c0_i32, %c0_i32_0 : i32, i32
  }
  func.func @transform_6(%arg0: i32) -> (i32, i32) {
    %c0_i32 = arith.constant 0 : i32
    %c0_i32_0 = arith.constant 0 : i32
    %c0_i32_1 = arith.constant 0 : i32
    return %c0_i32, %c0_i32_0 : i32, i32
  }
  func.func @transform_7(%arg0: i32) -> (i32, i32) {
    %c0_i32 = arith.constant 0 : i32
    %c0_i32_0 = arith.constant 0 : i32
    return %arg0, %c0_i32 : i32, i32
  }
}

module attributes {stable_mosaic.version = 14 : i64} {
  func.func @_k3_body(%arg0: i32, %arg1: memref<1280x128xf32, #tpu.memory_space<vmem>>, %arg2: memref<1280x128xf32, #tpu.memory_space<vmem>>, %arg3: memref<1280x128xf32, #tpu.memory_space<vmem>>, %arg4: memref<1280x16xf32, #tpu.memory_space<vmem>>, %arg5: memref<272x128xf32, #tpu.memory_space<vmem>>, %arg6: memref<1x128xf32, #tpu.memory_space<vmem>>, %arg7: memref<1x128xf32, #tpu.memory_space<vmem>>, %arg8: memref<1x128xf32, #tpu.memory_space<vmem>>, %arg9: memref<128x128xf32, #tpu.memory_space<vmem>>, %arg10: memref<1x128xf32, #tpu.memory_space<vmem>>, %arg11: memref<272x128xf32, #tpu.memory_space<vmem>>, %arg12: memref<1x128xf32, #tpu.memory_space<vmem>>, %arg13: memref<1x128xf32, #tpu.memory_space<vmem>>, %arg14: memref<1x128xf32, #tpu.memory_space<vmem>>, %arg15: memref<128x128xf32, #tpu.memory_space<vmem>>, %arg16: memref<1x128xf32, #tpu.memory_space<vmem>>, %arg17: memref<1280x128xf32, #tpu.memory_space<vmem>>, %arg18: memref<1280x8xf32, #tpu.memory_space<vmem>>) attributes {dimension_semantics = [#tpu.dimension_semantics<arbitrary>], iteration_bounds = array<i64: 250>, scalar_prefetch = 0 : i64, scratch_operands = 0 : i64, tpu.core_type = #tpu.core_type<tc>, window_params = [{transform_indices = @transform_0, window_bounds = array<i64: 1280, 128>}, {transform_indices = @transform_1, window_bounds = array<i64: 1280, 128>}, {transform_indices = @transform_2, window_bounds = array<i64: 1280, 128>}, {transform_indices = @transform_3, window_bounds = array<i64: 1280, 16>}, {pipeline_mode = #tpu.pipeline_mode<synchronous>, transform_indices = @transform_4, window_bounds = array<i64: 272, 128>}, {pipeline_mode = #tpu.pipeline_mode<synchronous>, transform_indices = @transform_5, window_bounds = array<i64: 1, 128>}, {pipeline_mode = #tpu.pipeline_mode<synchronous>, transform_indices = @transform_6, window_bounds = array<i64: 1, 128>}, {pipeline_mode = #tpu.pipeline_mode<synchronous>, transform_indices = @transform_7, window_bounds = array<i64: 1, 128>}, {pipeline_mode = #tpu.pipeline_mode<synchronous>, transform_indices = @transform_8, window_bounds = array<i64: 128, 128>}, {pipeline_mode = #tpu.pipeline_mode<synchronous>, transform_indices = @transform_9, window_bounds = array<i64: 1, 128>}, {pipeline_mode = #tpu.pipeline_mode<synchronous>, transform_indices = @transform_10, window_bounds = array<i64: 272, 128>}, {pipeline_mode = #tpu.pipeline_mode<synchronous>, transform_indices = @transform_11, window_bounds = array<i64: 1, 128>}, {pipeline_mode = #tpu.pipeline_mode<synchronous>, transform_indices = @transform_12, window_bounds = array<i64: 1, 128>}, {pipeline_mode = #tpu.pipeline_mode<synchronous>, transform_indices = @transform_13, window_bounds = array<i64: 1, 128>}, {pipeline_mode = #tpu.pipeline_mode<synchronous>, transform_indices = @transform_14, window_bounds = array<i64: 128, 128>}, {pipeline_mode = #tpu.pipeline_mode<synchronous>, transform_indices = @transform_15, window_bounds = array<i64: 1, 128>}, {transform_indices = @transform_16, window_bounds = array<i64: 1280, 128>}, {transform_indices = @transform_17, window_bounds = array<i64: 1280, 8>}]} {
    %get3A = arith.constant 0 : index
    %get3A_0 = arith.constant 0 : index
    %get3A_1 = vector.load %arg1[%get3A, %get3A_0] : memref<1280x128xf32, #tpu.memory_space<vmem>>, vector<1280x128xf32>
    %get3A_2 = arith.constant 0 : index
    %get3A_3 = arith.constant 0 : index
    %get3A_4 = vector.load %arg3[%get3A_2, %get3A_3] : memref<1280x128xf32, #tpu.memory_space<vmem>>, vector<1280x128xf32>
    %get3A_5 = arith.constant 0 : index
    %get3A_6 = arith.constant 0 : index
    %get3A_7 = vector.load %arg2[%get3A_5, %get3A_6] : memref<1280x128xf32, #tpu.memory_space<vmem>>, vector<1280x128xf32>
    %get3A_8 = arith.constant 0 : index
    %get3A_9 = arith.constant 0 : index
    %get3A_10 = vector.load %arg4[%get3A_8, %get3A_9] : memref<1280x16xf32, #tpu.memory_space<vmem>>, vector<1280x16xf32>
    %get3A_11 = arith.constant 0 : index
    %get3A_12 = arith.constant 0 : index
    %get3A_13 = vector.load %arg5[%get3A_11, %get3A_12] : memref<272x128xf32, #tpu.memory_space<vmem>>, vector<16x128xf32>
    %dot_general3A = arith.constant dense<0.000000e+00> : vector<1280x128xf32>
    %dot_general3A_14 = tpu.matmul %get3A_10, %get3A_13, %dot_general3A {dimension_numbers = #tpu.dot_dimension_numbers<[1], [0], [0], [1], [0, 0, 1, 1], [], []>, transpose_lhs_hint = false} : vector<1280x16xf32>, vector<16x128xf32>, vector<1280x128xf32> -> vector<1280x128xf32>
    %get3A_15 = arith.constant 16 : index
    %get3A_16 = arith.constant 0 : index
    %get3A_17 = vector.load %arg5[%get3A_15, %get3A_16] : memref<272x128xf32, #tpu.memory_space<vmem>>, vector<128x128xf32>
    %dot_general3A_18 = arith.constant dense<0.000000e+00> : vector<1280x128xf32>
    %dot_general3A_19 = tpu.matmul %get3A_1, %get3A_17, %dot_general3A_18 {dimension_numbers = #tpu.dot_dimension_numbers<[1], [0], [0], [1], [0, 0, 1, 1], [], []>, transpose_lhs_hint = false} : vector<1280x128xf32>, vector<128x128xf32>, vector<1280x128xf32> -> vector<1280x128xf32>
    %add3A = arith.addf %dot_general3A_14, %dot_general3A_19 : vector<1280x128xf32>
    %get3A_20 = arith.constant 144 : index
    %get3A_21 = arith.constant 0 : index
    %get3A_22 = vector.load %arg5[%get3A_20, %get3A_21] : memref<272x128xf32, #tpu.memory_space<vmem>>, vector<128x128xf32>
    %dot_general3A_23 = arith.constant dense<0.000000e+00> : vector<1280x128xf32>
    %dot_general3A_24 = tpu.matmul %get3A_7, %get3A_22, %dot_general3A_23 {dimension_numbers = #tpu.dot_dimension_numbers<[1], [0], [0], [1], [0, 0, 1, 1], [], []>, transpose_lhs_hint = false} : vector<1280x128xf32>, vector<128x128xf32>, vector<1280x128xf32> -> vector<1280x128xf32>
    %add3A_25 = arith.addf %add3A, %dot_general3A_24 : vector<1280x128xf32>
    %get3A_26 = arith.constant 0 : index
    %get3A_27 = arith.constant 0 : index
    %get3A_28 = vector.load %arg6[%get3A_26, %get3A_27] : memref<1x128xf32, #tpu.memory_space<vmem>>, vector<1x128xf32>
    %add3A_29 = vector.broadcast %get3A_28 : vector<1x128xf32> to vector<1280x128xf32>
    %add3A_30 = arith.addf %add3A_25, %add3A_29 : vector<1280x128xf32>
    %get3A_31 = arith.constant 0 : index
    %get3A_32 = arith.constant 0 : index
    %get3A_33 = vector.load %arg7[%get3A_31, %get3A_32] : memref<1x128xf32, #tpu.memory_space<vmem>>, vector<1x128xf32>
    %get3A_34 = arith.constant 0 : index
    %get3A_35 = arith.constant 0 : index
    %get3A_36 = vector.load %arg8[%get3A_34, %get3A_35] : memref<1x128xf32, #tpu.memory_space<vmem>>, vector<1x128xf32>
    %reduce_sum3A = arith.constant dense<0.000000e+00> : vector<1280xf32>
    %reduce_sum3A_37 = vector.multi_reduction <add>, %add3A_30, %reduce_sum3A [1] : vector<1280x128xf32> to vector<1280xf32>
    %broadcast_in_dim3A = vector.shape_cast %reduce_sum3A_37 : vector<1280xf32> to vector<1280x1xf32>
    %div3A = arith.constant 1.280000e+02 : f32
    %div3A_38 = vector.broadcast %div3A : f32 to vector<1280x1xf32>
    %div3A_39 = arith.divf %broadcast_in_dim3A, %div3A_38 : vector<1280x1xf32>
    %sub3A = vector.broadcast %div3A_39 : vector<1280x1xf32> to vector<1280x128xf32>
    %sub3A_40 = arith.subf %add3A_30, %sub3A : vector<1280x128xf32>
    %sub3A_41 = vector.broadcast %div3A_39 : vector<1280x1xf32> to vector<1280x128xf32>
    %sub3A_42 = arith.subf %add3A_30, %sub3A_41 : vector<1280x128xf32>
    %mul3A = arith.mulf %sub3A_40, %sub3A_42 : vector<1280x128xf32>
    %reduce_sum3A_43 = arith.constant dense<0.000000e+00> : vector<1280xf32>
    %reduce_sum3A_44 = vector.multi_reduction <add>, %mul3A, %reduce_sum3A_43 [1] : vector<1280x128xf32> to vector<1280xf32>
    %broadcast_in_dim3A_45 = vector.shape_cast %reduce_sum3A_44 : vector<1280xf32> to vector<1280x1xf32>
    %div3A_46 = arith.constant 1.280000e+02 : f32
    %div3A_47 = vector.broadcast %div3A_46 : f32 to vector<1280x1xf32>
    %div3A_48 = arith.divf %broadcast_in_dim3A_45, %div3A_47 : vector<1280x1xf32>
    %sub3A_49 = vector.broadcast %div3A_39 : vector<1280x1xf32> to vector<1280x128xf32>
    %sub3A_50 = arith.subf %add3A_30, %sub3A_49 : vector<1280x128xf32>
    %add3A_51 = arith.constant 9.99999974E-6 : f32
    %add3A_52 = vector.broadcast %add3A_51 : f32 to vector<1280x1xf32>
    %add3A_53 = arith.addf %div3A_48, %add3A_52 : vector<1280x1xf32>
    %sqrt3A = math.sqrt %add3A_53 : vector<1280x1xf32>
    %div3A_54 = vector.broadcast %sqrt3A : vector<1280x1xf32> to vector<1280x128xf32>
    %div3A_55 = arith.divf %sub3A_50, %div3A_54 : vector<1280x128xf32>
    %mul3A_56 = vector.broadcast %get3A_33 : vector<1x128xf32> to vector<1280x128xf32>
    %mul3A_57 = arith.mulf %div3A_55, %mul3A_56 : vector<1280x128xf32>
    %add3A_58 = vector.broadcast %get3A_36 : vector<1x128xf32> to vector<1280x128xf32>
    %add3A_59 = arith.addf %mul3A_57, %add3A_58 : vector<1280x128xf32>
    %max3A = arith.constant 0.000000e+00 : f32
    %max3A_60 = vector.broadcast %max3A : f32 to vector<1280x128xf32>
    %max3A_61 = arith.maximumf %add3A_59, %max3A_60 : vector<1280x128xf32>
    %get3A_62 = arith.constant 0 : index
    %get3A_63 = arith.constant 0 : index
    %get3A_64 = vector.load %arg9[%get3A_62, %get3A_63] : memref<128x128xf32, #tpu.memory_space<vmem>>, vector<128x128xf32>
    %dot_general3A_65 = arith.constant dense<0.000000e+00> : vector<1280x128xf32>
    %dot_general3A_66 = tpu.matmul %max3A_61, %get3A_64, %dot_general3A_65 {dimension_numbers = #tpu.dot_dimension_numbers<[1], [0], [0], [1], [0, 0, 1, 1], [], []>, transpose_lhs_hint = false} : vector<1280x128xf32>, vector<128x128xf32>, vector<1280x128xf32> -> vector<1280x128xf32>
    %get3A_67 = arith.constant 0 : index
    %get3A_68 = arith.constant 0 : index
    %get3A_69 = vector.load %arg10[%get3A_67, %get3A_68] : memref<1x128xf32, #tpu.memory_space<vmem>>, vector<1x128xf32>
    %add3A_70 = vector.broadcast %get3A_69 : vector<1x128xf32> to vector<1280x128xf32>
    %add3A_71 = arith.addf %dot_general3A_66, %add3A_70 : vector<1280x128xf32>
    %get3A_72 = arith.constant 0 : index
    %get3A_73 = arith.constant 0 : index
    %get3A_74 = vector.load %arg11[%get3A_72, %get3A_73] : memref<272x128xf32, #tpu.memory_space<vmem>>, vector<16x128xf32>
    %dot_general3A_75 = arith.constant dense<0.000000e+00> : vector<1280x128xf32>
    %dot_general3A_76 = tpu.matmul %get3A_10, %get3A_74, %dot_general3A_75 {dimension_numbers = #tpu.dot_dimension_numbers<[1], [0], [0], [1], [0, 0, 1, 1], [], []>, transpose_lhs_hint = false} : vector<1280x16xf32>, vector<16x128xf32>, vector<1280x128xf32> -> vector<1280x128xf32>
    %get3A_77 = arith.constant 16 : index
    %get3A_78 = arith.constant 0 : index
    %get3A_79 = vector.load %arg11[%get3A_77, %get3A_78] : memref<272x128xf32, #tpu.memory_space<vmem>>, vector<128x128xf32>
    %dot_general3A_80 = arith.constant dense<0.000000e+00> : vector<1280x128xf32>
    %dot_general3A_81 = tpu.matmul %get3A_1, %get3A_79, %dot_general3A_80 {dimension_numbers = #tpu.dot_dimension_numbers<[1], [0], [0], [1], [0, 0, 1, 1], [], []>, transpose_lhs_hint = false} : vector<1280x128xf32>, vector<128x128xf32>, vector<1280x128xf32> -> vector<1280x128xf32>
    %add3A_82 = arith.addf %dot_general3A_76, %dot_general3A_81 : vector<1280x128xf32>
    %get3A_83 = arith.constant 144 : index
    %get3A_84 = arith.constant 0 : index
    %get3A_85 = vector.load %arg11[%get3A_83, %get3A_84] : memref<272x128xf32, #tpu.memory_space<vmem>>, vector<128x128xf32>
    %dot_general3A_86 = arith.constant dense<0.000000e+00> : vector<1280x128xf32>
    %dot_general3A_87 = tpu.matmul %get3A_7, %get3A_85, %dot_general3A_86 {dimension_numbers = #tpu.dot_dimension_numbers<[1], [0], [0], [1], [0, 0, 1, 1], [], []>, transpose_lhs_hint = false} : vector<1280x128xf32>, vector<128x128xf32>, vector<1280x128xf32> -> vector<1280x128xf32>
    %add3A_88 = arith.addf %add3A_82, %dot_general3A_87 : vector<1280x128xf32>
    %get3A_89 = arith.constant 0 : index
    %get3A_90 = arith.constant 0 : index
    %get3A_91 = vector.load %arg12[%get3A_89, %get3A_90] : memref<1x128xf32, #tpu.memory_space<vmem>>, vector<1x128xf32>
    %add3A_92 = vector.broadcast %get3A_91 : vector<1x128xf32> to vector<1280x128xf32>
    %add3A_93 = arith.addf %add3A_88, %add3A_92 : vector<1280x128xf32>
    %get3A_94 = arith.constant 0 : index
    %get3A_95 = arith.constant 0 : index
    %get3A_96 = vector.load %arg13[%get3A_94, %get3A_95] : memref<1x128xf32, #tpu.memory_space<vmem>>, vector<1x128xf32>
    %get3A_97 = arith.constant 0 : index
    %get3A_98 = arith.constant 0 : index
    %get3A_99 = vector.load %arg14[%get3A_97, %get3A_98] : memref<1x128xf32, #tpu.memory_space<vmem>>, vector<1x128xf32>
    %reduce_sum3A_100 = arith.constant dense<0.000000e+00> : vector<1280xf32>
    %reduce_sum3A_101 = vector.multi_reduction <add>, %add3A_93, %reduce_sum3A_100 [1] : vector<1280x128xf32> to vector<1280xf32>
    %broadcast_in_dim3A_102 = vector.shape_cast %reduce_sum3A_101 : vector<1280xf32> to vector<1280x1xf32>
    %div3A_103 = arith.constant 1.280000e+02 : f32
    %div3A_104 = vector.broadcast %div3A_103 : f32 to vector<1280x1xf32>
    %div3A_105 = arith.divf %broadcast_in_dim3A_102, %div3A_104 : vector<1280x1xf32>
    %sub3A_106 = vector.broadcast %div3A_105 : vector<1280x1xf32> to vector<1280x128xf32>
    %sub3A_107 = arith.subf %add3A_93, %sub3A_106 : vector<1280x128xf32>
    %sub3A_108 = vector.broadcast %div3A_105 : vector<1280x1xf32> to vector<1280x128xf32>
    %sub3A_109 = arith.subf %add3A_93, %sub3A_108 : vector<1280x128xf32>
    %mul3A_110 = arith.mulf %sub3A_107, %sub3A_109 : vector<1280x128xf32>
    %reduce_sum3A_111 = arith.constant dense<0.000000e+00> : vector<1280xf32>
    %reduce_sum3A_112 = vector.multi_reduction <add>, %mul3A_110, %reduce_sum3A_111 [1] : vector<1280x128xf32> to vector<1280xf32>
    %broadcast_in_dim3A_113 = vector.shape_cast %reduce_sum3A_112 : vector<1280xf32> to vector<1280x1xf32>
    %div3A_114 = arith.constant 1.280000e+02 : f32
    %div3A_115 = vector.broadcast %div3A_114 : f32 to vector<1280x1xf32>
    %div3A_116 = arith.divf %broadcast_in_dim3A_113, %div3A_115 : vector<1280x1xf32>
    %sub3A_117 = vector.broadcast %div3A_105 : vector<1280x1xf32> to vector<1280x128xf32>
    %sub3A_118 = arith.subf %add3A_93, %sub3A_117 : vector<1280x128xf32>
    %add3A_119 = arith.constant 9.99999974E-6 : f32
    %add3A_120 = vector.broadcast %add3A_119 : f32 to vector<1280x1xf32>
    %add3A_121 = arith.addf %div3A_116, %add3A_120 : vector<1280x1xf32>
    %sqrt3A_122 = math.sqrt %add3A_121 : vector<1280x1xf32>
    %div3A_123 = vector.broadcast %sqrt3A_122 : vector<1280x1xf32> to vector<1280x128xf32>
    %div3A_124 = arith.divf %sub3A_118, %div3A_123 : vector<1280x128xf32>
    %mul3A_125 = vector.broadcast %get3A_96 : vector<1x128xf32> to vector<1280x128xf32>
    %mul3A_126 = arith.mulf %div3A_124, %mul3A_125 : vector<1280x128xf32>
    %add3A_127 = vector.broadcast %get3A_99 : vector<1x128xf32> to vector<1280x128xf32>
    %add3A_128 = arith.addf %mul3A_126, %add3A_127 : vector<1280x128xf32>
    %max3A_129 = arith.constant 0.000000e+00 : f32
    %max3A_130 = vector.broadcast %max3A_129 : f32 to vector<1280x128xf32>
    %max3A_131 = arith.maximumf %add3A_128, %max3A_130 : vector<1280x128xf32>
    %get3A_132 = arith.constant 0 : index
    %get3A_133 = arith.constant 0 : index
    %get3A_134 = vector.load %arg15[%get3A_132, %get3A_133] : memref<128x128xf32, #tpu.memory_space<vmem>>, vector<128x128xf32>
    %dot_general3A_135 = arith.constant dense<0.000000e+00> : vector<1280x128xf32>
    %dot_general3A_136 = tpu.matmul %max3A_131, %get3A_134, %dot_general3A_135 {dimension_numbers = #tpu.dot_dimension_numbers<[1], [0], [0], [1], [0, 0, 1, 1], [], []>, transpose_lhs_hint = false} : vector<1280x128xf32>, vector<128x128xf32>, vector<1280x128xf32> -> vector<1280x128xf32>
    %get3A_137 = arith.constant 0 : index
    %get3A_138 = arith.constant 0 : index
    %get3A_139 = vector.load %arg16[%get3A_137, %get3A_138] : memref<1x128xf32, #tpu.memory_space<vmem>>, vector<1x128xf32>
    %add3A_140 = vector.broadcast %get3A_139 : vector<1x128xf32> to vector<1280x128xf32>
    %add3A_141 = arith.addf %dot_general3A_136, %add3A_140 : vector<1280x128xf32>
    %iota3A = tpu.iota {dimensions = array<i32: 1>} : vector<8x128xi32>
    %jit3A = arith.constant 32 : i32
    %div3A_142 = vector.broadcast %jit3A : i32 to vector<8x128xi32>
    %div3A_143 = arith.divsi %iota3A, %div3A_142 : vector<8x128xi32>
    %sign3A = arith.constant 0 : i32
    %sign3A_144 = vector.broadcast %sign3A : i32 to vector<8x128xi32>
    %sign3A_145 = arith.cmpi sgt, %iota3A, %sign3A_144 : vector<8x128xi32>
    %sign3A_146 = arith.extui %sign3A_145 : vector<8x128xi1> to vector<8x128xi32>
    %sign3A_147 = arith.constant 0 : i32
    %sign3A_148 = vector.broadcast %sign3A_147 : i32 to vector<8x128xi32>
    %sign3A_149 = arith.cmpi slt, %iota3A, %sign3A_148 : vector<8x128xi32>
    %sign3A_150 = arith.extui %sign3A_149 : vector<8x128xi1> to vector<8x128xi32>
    %sign3A_151 = arith.subi %sign3A_146, %sign3A_150 : vector<8x128xi32>
    %sign3A_152 = arith.constant 0 : i32
    %sign3A_153 = arith.cmpi sgt, %jit3A, %sign3A_152 : i32
    %sign3A_154 = arith.extui %sign3A_153 : i1 to i32
    %sign3A_155 = arith.constant 0 : i32
    %sign3A_156 = arith.cmpi slt, %jit3A, %sign3A_155 : i32
    %sign3A_157 = arith.extui %sign3A_156 : i1 to i32
    %sign3A_158 = arith.subi %sign3A_154, %sign3A_157 : i32
    %ne3A = vector.broadcast %sign3A_158 : i32 to vector<8x128xi32>
    %ne3A_159 = arith.cmpi ne, %sign3A_151, %ne3A : vector<8x128xi32>
    %rem3A = vector.broadcast %jit3A : i32 to vector<8x128xi32>
    %rem3A_160 = arith.remsi %iota3A, %rem3A : vector<8x128xi32>
    %ne3A_161 = arith.constant 0 : i32
    %ne3A_162 = vector.broadcast %ne3A_161 : i32 to vector<8x128xi32>
    %ne3A_163 = arith.cmpi ne, %rem3A_160, %ne3A_162 : vector<8x128xi32>
    %and3A = arith.andi %ne3A_159, %ne3A_163 : vector<8x128xi1>
    %sub3A_164 = arith.constant 1 : i32
    %sub3A_165 = vector.broadcast %sub3A_164 : i32 to vector<8x128xi32>
    %sub3A_166 = arith.subi %div3A_143, %sub3A_165 : vector<8x128xi32>
    %select_n3A = arith.select %and3A, %sub3A_166, %div3A_143 : vector<8x128xi1>, vector<8x128xi32>
    %iota3A_167 = tpu.iota {dimensions = array<i32: 0>} : vector<8x128xi32>
    %eq3A = arith.cmpi eq, %select_n3A, %iota3A_167 : vector<8x128xi32>
    %convert_element_type3A = arith.extui %eq3A : vector<8x128xi1> to vector<8x128xi32>
    %convert_element_type3A_168 = arith.sitofp %convert_element_type3A : vector<8x128xi32> to vector<8x128xf32>
    %mul3A_169 = arith.mulf %get3A_4, %add3A_71 : vector<1280x128xf32>
    %transpose3A = tpu.transpose %convert_element_type3A_168, [1, 0] : vector<8x128xf32> -> vector<128x8xf32>
    %dot_general3A_170 = arith.constant dense<0.000000e+00> : vector<1280x8xf32>
    %dot_general3A_171 = tpu.matmul %mul3A_169, %transpose3A, %dot_general3A_170 {dimension_numbers = #tpu.dot_dimension_numbers<[1], [0], [0], [1], [0, 0, 1, 1], [], []>, transpose_lhs_hint = false} : vector<1280x128xf32>, vector<128x8xf32>, vector<1280x8xf32> -> vector<1280x8xf32>
    %mul3A_172 = arith.constant 0.176776692 : f32
    %mul3A_173 = vector.broadcast %mul3A_172 : f32 to vector<1280x8xf32>
    %mul3A_174 = arith.mulf %dot_general3A_171, %mul3A_173 : vector<1280x8xf32>
    %exp3A = math.exp %mul3A_174 : vector<1280x8xf32>
    %dot_general3A_175 = arith.constant dense<0.000000e+00> : vector<1280x128xf32>
    %dot_general3A_176 = tpu.matmul %exp3A, %convert_element_type3A_168, %dot_general3A_175 {dimension_numbers = #tpu.dot_dimension_numbers<[1], [0], [0], [1], [0, 0, 1, 1], [], []>, transpose_lhs_hint = false} : vector<1280x8xf32>, vector<8x128xf32>, vector<1280x128xf32> -> vector<1280x128xf32>
    %mul3A_177 = arith.mulf %add3A_141, %dot_general3A_176 : vector<1280x128xf32>
    %swap3A = arith.constant 0 : index
    %swap3A_178 = arith.constant 0 : index
    %swap3A_179 = vector.load %arg17[%swap3A, %swap3A_178] : memref<1280x128xf32, #tpu.memory_space<vmem>>, vector<1280x128xf32>
    tpu.vector_store %arg17[%swap3A, %swap3A_178], %mul3A_177 {strides = array<i32>} : memref<1280x128xf32, #tpu.memory_space<vmem>>, vector<1280x128xf32>,
    %swap3A_180 = arith.constant 0 : index
    %swap3A_181 = arith.constant 0 : index
    %swap3A_182 = vector.load %arg18[%swap3A_180, %swap3A_181] : memref<1280x8xf32, #tpu.memory_space<vmem>>, vector<1280x8xf32>
    tpu.vector_store %arg18[%swap3A_180, %swap3A_181], %exp3A {strides = array<i32>} : memref<1280x8xf32, #tpu.memory_space<vmem>>, vector<1280x8xf32>,
    return
  }
  func.func @transform_0(%arg0: i32) -> (i32, i32) {
    %c0_i32 = arith.constant 0 : i32
    %c0_i32_0 = arith.constant 0 : i32
    return %arg0, %c0_i32 : i32, i32
  }
  func.func @transform_1(%arg0: i32) -> (i32, i32) {
    %c0_i32 = arith.constant 0 : i32
    %c0_i32_0 = arith.constant 0 : i32
    return %arg0, %c0_i32 : i32, i32
  }
  func.func @transform_2(%arg0: i32) -> (i32, i32) {
    %c0_i32 = arith.constant 0 : i32
    %c0_i32_0 = arith.constant 0 : i32
    return %arg0, %c0_i32 : i32, i32
  }
  func.func @transform_3(%arg0: i32) -> (i32, i32) {
    %c0_i32 = arith.constant 0 : i32
    %c0_i32_0 = arith.constant 0 : i32
    return %arg0, %c0_i32 : i32, i32
  }
  func.func @transform_4(%arg0: i32) -> (i32, i32) {
    %c0_i32 = arith.constant 0 : i32
    %c0_i32_0 = arith.constant 0 : i32
    %c0_i32_1 = arith.constant 0 : i32
    return %c0_i32, %c0_i32_0 : i32, i32
  }
  func.func @transform_5(%arg0: i32) -> (i32, i32) {
    %c0_i32 = arith.constant 0 : i32
    %c0_i32_0 = arith.constant 0 : i32
    %c0_i32_1 = arith.constant 0 : i32
    return %c0_i32, %c0_i32_0 : i32, i32
  }
  func.func @transform_6(%arg0: i32) -> (i32, i32) {
    %c0_i32 = arith.constant 0 : i32
    %c0_i32_0 = arith.constant 0 : i32
    %c0_i32_1 = arith.constant 0 : i32
    return %c0_i32, %c0_i32_0 : i32, i32
  }
  func.func @transform_7(%arg0: i32) -> (i32, i32) {
    %c0_i32 = arith.constant 0 : i32
    %c0_i32_0 = arith.constant 0 : i32
    %c0_i32_1 = arith.constant 0 : i32
    return %c0_i32, %c0_i32_0 : i32, i32
  }
  func.func @transform_8(%arg0: i32) -> (i32, i32) {
    %c0_i32 = arith.constant 0 : i32
    %c0_i32_0 = arith.constant 0 : i32
    %c0_i32_1 = arith.constant 0 : i32
    return %c0_i32, %c0_i32_0 : i32, i32
  }
  func.func @transform_9(%arg0: i32) -> (i32, i32) {
    %c0_i32 = arith.constant 0 : i32
    %c0_i32_0 = arith.constant 0 : i32
    %c0_i32_1 = arith.constant 0 : i32
    return %c0_i32, %c0_i32_0 : i32, i32
  }
  func.func @transform_10(%arg0: i32) -> (i32, i32) {
    %c0_i32 = arith.constant 0 : i32
    %c0_i32_0 = arith.constant 0 : i32
    %c0_i32_1 = arith.constant 0 : i32
    return %c0_i32, %c0_i32_0 : i32, i32
  }
  func.func @transform_11(%arg0: i32) -> (i32, i32) {
    %c0_i32 = arith.constant 0 : i32
    %c0_i32_0 = arith.constant 0 : i32
    %c0_i32_1 = arith.constant 0 : i32
    return %c0_i32, %c0_i32_0 : i32, i32
  }
  func.func @transform_12(%arg0: i32) -> (i32, i32) {
    %c0_i32 = arith.constant 0 : i32
    %c0_i32_0 = arith.constant 0 : i32
    %c0_i32_1 = arith.constant 0 : i32
    return %c0_i32, %c0_i32_0 : i32, i32
  }
  func.func @transform_13(%arg0: i32) -> (i32, i32) {
    %c0_i32 = arith.constant 0 : i32
    %c0_i32_0 = arith.constant 0 : i32
    %c0_i32_1 = arith.constant 0 : i32
    return %c0_i32, %c0_i32_0 : i32, i32
  }
  func.func @transform_14(%arg0: i32) -> (i32, i32) {
    %c0_i32 = arith.constant 0 : i32
    %c0_i32_0 = arith.constant 0 : i32
    %c0_i32_1 = arith.constant 0 : i32
    return %c0_i32, %c0_i32_0 : i32, i32
  }
  func.func @transform_15(%arg0: i32) -> (i32, i32) {
    %c0_i32 = arith.constant 0 : i32
    %c0_i32_0 = arith.constant 0 : i32
    %c0_i32_1 = arith.constant 0 : i32
    return %c0_i32, %c0_i32_0 : i32, i32
  }
  func.func @transform_16(%arg0: i32) -> (i32, i32) {
    %c0_i32 = arith.constant 0 : i32
    %c0_i32_0 = arith.constant 0 : i32
    return %arg0, %c0_i32 : i32, i32
  }
  func.func @transform_17(%arg0: i32) -> (i32, i32) {
    %c0_i32 = arith.constant 0 : i32
    %c0_i32_0 = arith.constant 0 : i32
    return %arg0, %c0_i32 : i32, i32
  }
}

module attributes {stable_mosaic.version = 14 : i64} {
  func.func @_k5_body(%arg0: i32, %arg1: memref<2000x128xf32, #tpu.memory_space<vmem>>, %arg2: memref<2000x128xf32, #tpu.memory_space<vmem>>, %arg3: memref<2000x128xf32, #tpu.memory_space<vmem>>, %arg4: memref<2000x128xf32, #tpu.memory_space<vmem>>, %arg5: memref<2000x128xf32, #tpu.memory_space<vmem>>, %arg6: memref<256x128xf32, #tpu.memory_space<vmem>>, %arg7: memref<1x128xf32, #tpu.memory_space<vmem>>, %arg8: memref<1x128xf32, #tpu.memory_space<vmem>>, %arg9: memref<1x128xf32, #tpu.memory_space<vmem>>, %arg10: memref<128x128xf32, #tpu.memory_space<vmem>>, %arg11: memref<1x128xf32, #tpu.memory_space<vmem>>, %arg12: memref<2000x128xf32, #tpu.memory_space<vmem>>) attributes {dimension_semantics = [#tpu.dimension_semantics<arbitrary>], iteration_bounds = array<i64: 5>, scalar_prefetch = 0 : i64, scratch_operands = 0 : i64, tpu.core_type = #tpu.core_type<tc>, window_params = [{transform_indices = @transform_0, window_bounds = array<i64: 2000, 128>}, {transform_indices = @transform_1, window_bounds = array<i64: 2000, 128>}, {transform_indices = @transform_2, window_bounds = array<i64: 2000, 128>}, {transform_indices = @transform_3, window_bounds = array<i64: 2000, 128>}, {transform_indices = @transform_4, window_bounds = array<i64: 2000, 128>}, {pipeline_mode = #tpu.pipeline_mode<synchronous>, transform_indices = @transform_5, window_bounds = array<i64: 256, 128>}, {pipeline_mode = #tpu.pipeline_mode<synchronous>, transform_indices = @transform_6, window_bounds = array<i64: 1, 128>}, {pipeline_mode = #tpu.pipeline_mode<synchronous>, transform_indices = @transform_7, window_bounds = array<i64: 1, 128>}, {pipeline_mode = #tpu.pipeline_mode<synchronous>, transform_indices = @transform_8, window_bounds = array<i64: 1, 128>}, {pipeline_mode = #tpu.pipeline_mode<synchronous>, transform_indices = @transform_9, window_bounds = array<i64: 128, 128>}, {pipeline_mode = #tpu.pipeline_mode<synchronous>, transform_indices = @transform_10, window_bounds = array<i64: 1, 128>}, {transform_indices = @transform_11, window_bounds = array<i64: 2000, 128>}]} {
    %get3A = arith.constant 0 : index
    %get3A_0 = arith.constant 0 : index
    %get3A_1 = vector.load %arg1[%get3A, %get3A_0] : memref<2000x128xf32, #tpu.memory_space<vmem>>, vector<2000x128xf32>
    %get3A_2 = arith.constant 0 : index
    %get3A_3 = arith.constant 0 : index
    %get3A_4 = vector.load %arg2[%get3A_2, %get3A_3] : memref<2000x128xf32, #tpu.memory_space<vmem>>, vector<2000x128xf32>
    %add3A = arith.addf %get3A_1, %get3A_4 : vector<2000x128xf32>
    %get3A_5 = arith.constant 0 : index
    %get3A_6 = arith.constant 0 : index
    %get3A_7 = vector.load %arg5[%get3A_5, %get3A_6] : memref<2000x128xf32, #tpu.memory_space<vmem>>, vector<2000x128xf32>
    %get3A_8 = arith.constant 0 : index
    %get3A_9 = arith.constant 0 : index
    %get3A_10 = vector.load %arg3[%get3A_8, %get3A_9] : memref<2000x128xf32, #tpu.memory_space<vmem>>, vector<2000x8xf32>
    %get3A_11 = arith.constant 0 : index
    %get3A_12 = arith.constant 0 : index
    %get3A_13 = vector.load %arg4[%get3A_11, %get3A_12] : memref<2000x128xf32, #tpu.memory_space<vmem>>, vector<2000x8xf32>
    %add3A_14 = arith.addf %get3A_10, %get3A_13 : vector<2000x8xf32>
    %iota3A = tpu.iota {dimensions = array<i32: 1>} : vector<8x128xi32>
    %jit3A = arith.constant 32 : i32
    %div3A = vector.broadcast %jit3A : i32 to vector<8x128xi32>
    %div3A_15 = arith.divsi %iota3A, %div3A : vector<8x128xi32>
    %sign3A = arith.constant 0 : i32
    %sign3A_16 = vector.broadcast %sign3A : i32 to vector<8x128xi32>
    %sign3A_17 = arith.cmpi sgt, %iota3A, %sign3A_16 : vector<8x128xi32>
    %sign3A_18 = arith.extui %sign3A_17 : vector<8x128xi1> to vector<8x128xi32>
    %sign3A_19 = arith.constant 0 : i32
    %sign3A_20 = vector.broadcast %sign3A_19 : i32 to vector<8x128xi32>
    %sign3A_21 = arith.cmpi slt, %iota3A, %sign3A_20 : vector<8x128xi32>
    %sign3A_22 = arith.extui %sign3A_21 : vector<8x128xi1> to vector<8x128xi32>
    %sign3A_23 = arith.subi %sign3A_18, %sign3A_22 : vector<8x128xi32>
    %sign3A_24 = arith.constant 0 : i32
    %sign3A_25 = arith.cmpi sgt, %jit3A, %sign3A_24 : i32
    %sign3A_26 = arith.extui %sign3A_25 : i1 to i32
    %sign3A_27 = arith.constant 0 : i32
    %sign3A_28 = arith.cmpi slt, %jit3A, %sign3A_27 : i32
    %sign3A_29 = arith.extui %sign3A_28 : i1 to i32
    %sign3A_30 = arith.subi %sign3A_26, %sign3A_29 : i32
    %ne3A = vector.broadcast %sign3A_30 : i32 to vector<8x128xi32>
    %ne3A_31 = arith.cmpi ne, %sign3A_23, %ne3A : vector<8x128xi32>
    %rem3A = vector.broadcast %jit3A : i32 to vector<8x128xi32>
    %rem3A_32 = arith.remsi %iota3A, %rem3A : vector<8x128xi32>
    %ne3A_33 = arith.constant 0 : i32
    %ne3A_34 = vector.broadcast %ne3A_33 : i32 to vector<8x128xi32>
    %ne3A_35 = arith.cmpi ne, %rem3A_32, %ne3A_34 : vector<8x128xi32>
    %and3A = arith.andi %ne3A_31, %ne3A_35 : vector<8x128xi1>
    %sub3A = arith.constant 1 : i32
    %sub3A_36 = vector.broadcast %sub3A : i32 to vector<8x128xi32>
    %sub3A_37 = arith.subi %div3A_15, %sub3A_36 : vector<8x128xi32>
    %select_n3A = arith.select %and3A, %sub3A_37, %div3A_15 : vector<8x128xi1>, vector<8x128xi32>
    %iota3A_38 = tpu.iota {dimensions = array<i32: 0>} : vector<8x128xi32>
    %eq3A = arith.cmpi eq, %select_n3A, %iota3A_38 : vector<8x128xi32>
    %convert_element_type3A = arith.extui %eq3A : vector<8x128xi1> to vector<8x128xi32>
    %convert_element_type3A_39 = arith.sitofp %convert_element_type3A : vector<8x128xi32> to vector<8x128xf32>
    %dot_general3A = arith.constant dense<0.000000e+00> : vector<2000x128xf32>
    %dot_general3A_40 = tpu.matmul %add3A_14, %convert_element_type3A_39, %dot_general3A {dimension_numbers = #tpu.dot_dimension_numbers<[1], [0], [0], [1], [0, 0, 1, 1], [], []>, transpose_lhs_hint = false} : vector<2000x8xf32>, vector<8x128xf32>, vector<2000x128xf32> -> vector<2000x128xf32>
    %add3A_41 = arith.constant 1.000000e-16 : f32
    %add3A_42 = vector.broadcast %add3A_41 : f32 to vector<2000x128xf32>
    %add3A_43 = arith.addf %dot_general3A_40, %add3A_42 : vector<2000x128xf32>
    %div3A_44 = arith.divf %add3A, %add3A_43 : vector<2000x128xf32>
    %get3A_45 = arith.constant 0 : index
    %get3A_46 = arith.constant 0 : index
    %get3A_47 = vector.load %arg6[%get3A_45, %get3A_46] : memref<256x128xf32, #tpu.memory_space<vmem>>, vector<128x128xf32>
    %dot_general3A_48 = arith.constant dense<0.000000e+00> : vector<2000x128xf32>
    %dot_general3A_49 = tpu.matmul %div3A_44, %get3A_47, %dot_general3A_48 {dimension_numbers = #tpu.dot_dimension_numbers<[1], [0], [0], [1], [0, 0, 1, 1], [], []>, transpose_lhs_hint = false} : vector<2000x128xf32>, vector<128x128xf32>, vector<2000x128xf32> -> vector<2000x128xf32>
    %get3A_50 = arith.constant 128 : index
    %get3A_51 = arith.constant 0 : index
    %get3A_52 = vector.load %arg6[%get3A_50, %get3A_51] : memref<256x128xf32, #tpu.memory_space<vmem>>, vector<128x128xf32>
    %dot_general3A_53 = arith.constant dense<0.000000e+00> : vector<2000x128xf32>
    %dot_general3A_54 = tpu.matmul %get3A_7, %get3A_52, %dot_general3A_53 {dimension_numbers = #tpu.dot_dimension_numbers<[1], [0], [0], [1], [0, 0, 1, 1], [], []>, transpose_lhs_hint = false} : vector<2000x128xf32>, vector<128x128xf32>, vector<2000x128xf32> -> vector<2000x128xf32>
    %add3A_55 = arith.addf %dot_general3A_49, %dot_general3A_54 : vector<2000x128xf32>
    %get3A_56 = arith.constant 0 : index
    %get3A_57 = arith.constant 0 : index
    %get3A_58 = vector.load %arg7[%get3A_56, %get3A_57] : memref<1x128xf32, #tpu.memory_space<vmem>>, vector<1x128xf32>
    %add3A_59 = vector.broadcast %get3A_58 : vector<1x128xf32> to vector<2000x128xf32>
    %add3A_60 = arith.addf %add3A_55, %add3A_59 : vector<2000x128xf32>
    %get3A_61 = arith.constant 0 : index
    %get3A_62 = arith.constant 0 : index
    %get3A_63 = vector.load %arg8[%get3A_61, %get3A_62] : memref<1x128xf32, #tpu.memory_space<vmem>>, vector<1x128xf32>
    %get3A_64 = arith.constant 0 : index
    %get3A_65 = arith.constant 0 : index
    %get3A_66 = vector.load %arg9[%get3A_64, %get3A_65] : memref<1x128xf32, #tpu.memory_space<vmem>>, vector<1x128xf32>
    %reduce_sum3A = arith.constant dense<0.000000e+00> : vector<2000xf32>
    %reduce_sum3A_67 = vector.multi_reduction <add>, %add3A_60, %reduce_sum3A [1] : vector<2000x128xf32> to vector<2000xf32>
    %broadcast_in_dim3A = vector.shape_cast %reduce_sum3A_67 : vector<2000xf32> to vector<2000x1xf32>
    %div3A_68 = arith.constant 1.280000e+02 : f32
    %div3A_69 = vector.broadcast %div3A_68 : f32 to vector<2000x1xf32>
    %div3A_70 = arith.divf %broadcast_in_dim3A, %div3A_69 : vector<2000x1xf32>
    %sub3A_71 = vector.broadcast %div3A_70 : vector<2000x1xf32> to vector<2000x128xf32>
    %sub3A_72 = arith.subf %add3A_60, %sub3A_71 : vector<2000x128xf32>
    %sub3A_73 = vector.broadcast %div3A_70 : vector<2000x1xf32> to vector<2000x128xf32>
    %sub3A_74 = arith.subf %add3A_60, %sub3A_73 : vector<2000x128xf32>
    %mul3A = arith.mulf %sub3A_72, %sub3A_74 : vector<2000x128xf32>
    %reduce_sum3A_75 = arith.constant dense<0.000000e+00> : vector<2000xf32>
    %reduce_sum3A_76 = vector.multi_reduction <add>, %mul3A, %reduce_sum3A_75 [1] : vector<2000x128xf32> to vector<2000xf32>
    %broadcast_in_dim3A_77 = vector.shape_cast %reduce_sum3A_76 : vector<2000xf32> to vector<2000x1xf32>
    %div3A_78 = arith.constant 1.280000e+02 : f32
    %div3A_79 = vector.broadcast %div3A_78 : f32 to vector<2000x1xf32>
    %div3A_80 = arith.divf %broadcast_in_dim3A_77, %div3A_79 : vector<2000x1xf32>
    %sub3A_81 = vector.broadcast %div3A_70 : vector<2000x1xf32> to vector<2000x128xf32>
    %sub3A_82 = arith.subf %add3A_60, %sub3A_81 : vector<2000x128xf32>
    %add3A_83 = arith.constant 9.99999974E-6 : f32
    %add3A_84 = vector.broadcast %add3A_83 : f32 to vector<2000x1xf32>
    %add3A_85 = arith.addf %div3A_80, %add3A_84 : vector<2000x1xf32>
    %sqrt3A = math.sqrt %add3A_85 : vector<2000x1xf32>
    %div3A_86 = vector.broadcast %sqrt3A : vector<2000x1xf32> to vector<2000x128xf32>
    %div3A_87 = arith.divf %sub3A_82, %div3A_86 : vector<2000x128xf32>
    %mul3A_88 = vector.broadcast %get3A_63 : vector<1x128xf32> to vector<2000x128xf32>
    %mul3A_89 = arith.mulf %div3A_87, %mul3A_88 : vector<2000x128xf32>
    %add3A_90 = vector.broadcast %get3A_66 : vector<1x128xf32> to vector<2000x128xf32>
    %add3A_91 = arith.addf %mul3A_89, %add3A_90 : vector<2000x128xf32>
    %max3A = arith.constant 0.000000e+00 : f32
    %max3A_92 = vector.broadcast %max3A : f32 to vector<2000x128xf32>
    %max3A_93 = arith.maximumf %add3A_91, %max3A_92 : vector<2000x128xf32>
    %get3A_94 = arith.constant 0 : index
    %get3A_95 = arith.constant 0 : index
    %get3A_96 = vector.load %arg10[%get3A_94, %get3A_95] : memref<128x128xf32, #tpu.memory_space<vmem>>, vector<128x128xf32>
    %dot_general3A_97 = arith.constant dense<0.000000e+00> : vector<2000x128xf32>
    %dot_general3A_98 = tpu.matmul %max3A_93, %get3A_96, %dot_general3A_97 {dimension_numbers = #tpu.dot_dimension_numbers<[1], [0], [0], [1], [0, 0, 1, 1], [], []>, transpose_lhs_hint = false} : vector<2000x128xf32>, vector<128x128xf32>, vector<2000x128xf32> -> vector<2000x128xf32>
    %get3A_99 = arith.constant 0 : index
    %get3A_100 = arith.constant 0 : index
    %get3A_101 = vector.load %arg11[%get3A_99, %get3A_100] : memref<1x128xf32, #tpu.memory_space<vmem>>, vector<1x128xf32>
    %add3A_102 = vector.broadcast %get3A_101 : vector<1x128xf32> to vector<2000x128xf32>
    %add3A_103 = arith.addf %dot_general3A_98, %add3A_102 : vector<2000x128xf32>
    %swap3A = arith.constant 0 : index
    %swap3A_104 = arith.constant 0 : index
    %swap3A_105 = vector.load %arg12[%swap3A, %swap3A_104] : memref<2000x128xf32, #tpu.memory_space<vmem>>, vector<2000x128xf32>
    tpu.vector_store %arg12[%swap3A, %swap3A_104], %add3A_103 {strides = array<i32>} : memref<2000x128xf32, #tpu.memory_space<vmem>>, vector<2000x128xf32>,
    return
  }
  func.func @transform_0(%arg0: i32) -> (i32, i32) {
    %c0_i32 = arith.constant 0 : i32
    %c0_i32_0 = arith.constant 0 : i32
    return %arg0, %c0_i32 : i32, i32
  }
  func.func @transform_1(%arg0: i32) -> (i32, i32) {
    %add3A = arith.constant 5 : i32
    %add3A_0 = arith.addi %arg0, %add3A : i32
    %c0_i32 = arith.constant 0 : i32
    %c0_i32_1 = arith.constant 0 : i32
    return %add3A_0, %c0_i32 : i32, i32
  }
  func.func @transform_2(%arg0: i32) -> (i32, i32) {
    %c0_i32 = arith.constant 0 : i32
    %c0_i32_0 = arith.constant 0 : i32
    return %arg0, %c0_i32 : i32, i32
  }
  func.func @transform_3(%arg0: i32) -> (i32, i32) {
    %add3A = arith.constant 5 : i32
    %add3A_0 = arith.addi %arg0, %add3A : i32
    %c0_i32 = arith.constant 0 : i32
    %c0_i32_1 = arith.constant 0 : i32
    return %add3A_0, %c0_i32 : i32, i32
  }
  func.func @transform_4(%arg0: i32) -> (i32, i32) {
    %c0_i32 = arith.constant 0 : i32
    %c0_i32_0 = arith.constant 0 : i32
    return %arg0, %c0_i32 : i32, i32
  }
  func.func @transform_5(%arg0: i32) -> (i32, i32) {
    %c0_i32 = arith.constant 0 : i32
    %c0_i32_0 = arith.constant 0 : i32
    %c0_i32_1 = arith.constant 0 : i32
    return %c0_i32, %c0_i32_0 : i32, i32
  }
  func.func @transform_6(%arg0: i32) -> (i32, i32) {
    %c0_i32 = arith.constant 0 : i32
    %c0_i32_0 = arith.constant 0 : i32
    %c0_i32_1 = arith.constant 0 : i32
    return %c0_i32, %c0_i32_0 : i32, i32
  }
  func.func @transform_7(%arg0: i32) -> (i32, i32) {
    %c0_i32 = arith.constant 0 : i32
    %c0_i32_0 = arith.constant 0 : i32
    %c0_i32_1 = arith.constant 0 : i32
    return %c0_i32, %c0_i32_0 : i32, i32
  }
  func.func @transform_8(%arg0: i32) -> (i32, i32) {
    %c0_i32 = arith.constant 0 : i32
    %c0_i32_0 = arith.constant 0 : i32
    %c0_i32_1 = arith.constant 0 : i32
    return %c0_i32, %c0_i32_0 : i32, i32
  }
  func.func @transform_9(%arg0: i32) -> (i32, i32) {
    %c0_i32 = arith.constant 0 : i32
    %c0_i32_0 = arith.constant 0 : i32
    %c0_i32_1 = arith.constant 0 : i32
    return %c0_i32, %c0_i32_0 : i32, i32
  }
  func.func @transform_10(%arg0: i32) -> (i32, i32) {
    %c0_i32 = arith.constant 0 : i32
    %c0_i32_0 = arith.constant 0 : i32
    %c0_i32_1 = arith.constant 0 : i32
    return %c0_i32, %c0_i32_0 : i32, i32
  }
  func.func @transform_11(%arg0: i32) -> (i32, i32) {
    %c0_i32 = arith.constant 0 : i32
    %c0_i32_0 = arith.constant 0 : i32
    return %arg0, %c0_i32 : i32, i32
  }
}

</mosaic_0001>

<sc_bundles>
// kernel: kernel.11.cloned.1.call-start
scs
__scs_entry_jumppad:
0x0: {  	(pc) =	sbr.rel $0x88, $3  }
0x1: {  	(tag) =	ssettag $0x0;
	lr =	simm.s32 $0x1  }
0x2: {  	[smem:$0x3F86] =	sst lr;
	_ =	strace $0xD0000000  }
0x3: {  	_ = 	snop  }
0x4: {  	_ = 	snop  }
0x5: {  	_ = 	snop  }
0x6: {  	_ = 	snop  }
0x7: {  	_ = 	snop  }
__scs_overlays_trampoline_lowered:
0x8: {  	[smem:$0x3F95] =	sst s0  }
0x9: {  	[smem:$0x3F96] =	sst s1  }
0xa: {  	[smem:$0x3F97] =	sst s2  }
0xb: {  	[smem:$0x3F98] =	sst s3  }
0xc: {  	[smem:$0x3F99] =	sst s4  }
0xd: {  	[smem:$0x3F9A] =	sst s5  }
0xe: {  	[smem:$0x3F9B] =	sst s6  }
0xf: {  	[smem:$0x3F9C] =	sst s7  }
0x10: {  	[smem:$0x3F9D] =	sst s8  }
0x11: {  	[smem:$0x3F9E] =	sst s9;
	s0 =	simm.s32 @!p0 $0x0  }
0x12: {  	s1 =	sld [smem:$0x3F84];
	s0 =	simm.s32 @p0 $0x1  }
0x13: {  	[smem:$0x3F9F] =	sst s0;
	s0 =	simm.s32 @!p1 $0x0  }
0x14: {  	s2 =	sld [smem:$0x3F83];
	s0 =	simm.s32 @p1 $0x1  }
0x15: {  	[smem:$0x3FA0] =	sst s0;
	s0 =	simm.s32 @!p2 $0x0  }
0x16: {  	s3 =	sld [smem:$0x3FDB];
	s0 =	simm.s32 @p2 $0x1  }
0x17: {  	s4 =	simm.s32 $0x1BF5;
	[smem:$0x3FA2] =	sst s0  }
0x18: {  	s0 =	sld [smem:$0x3F85];
	_ =	swait.ge [sflag:s4], $0x0  }
0x19: {  	s7 =	sld [smem:$0x3F86]  }
0x1a: {  	s8 =	sadd.s32 $0xFFFFE003, lr  }
0x1b: {  	s9 =	sadd.s32 $0xFFFFFEF7, lr;
	s5 =	simm.s32 $0xFFFFFFFF;
	p2 =	slt.u32 s8, $0xFFFFF086  }
0x1c: {  	p1 =	slt.u32 s9, $0xF7A;
	s5 =	simm.s32 @!p2 $0x0  }
0x1d: {  	s5 =	simm.s32 @p1 $0x1;
	p0 =	seq.s32 s7, s2  }
0x1e: {  	s7 =	smul.u32 @!p0 $0xF7A, s2;
	p2 =	seq.s32 @!p0 s5, $0x0  }
0x1f: {  	s9 =	smul.u32 $0xF7A, s1;
	s8 =	simm.s32 @!p0 $0x1BF5;
	p2 =	por !p2, p0  }
0x20: {  	[sflag:s8] =	ssyncset.s32 @!p0 $0xFFFFF086;
	s6 =	sadd.s32 @!p0 s3, s7;
	s7 =	simm.s32 @!p0 $0x108  }
0x21: {  	s3 =	sadd.s32 s3, s9;
	s6 =	sadd.s32 @!p0 $0x88, s6;
	s7 =	simm.s32 @p2 $0x1082  }
0x22: {  	[simem:s7], [sflag:s8] =	dma.local @!p0 [hbm:s6], $0xF7A  }
0x23: {  	s9 =	sor.u32 $0xD0000000, s2;
	s6 =	simm.s32 $0x108;
	_ =	swait.ge @!p0 [sflag:s8], $0x0  }
0x24: {  	s3 =	sadd.s32 $0x88, s3;
	s6 =	simm.s32 @!p1 $0x1082;
	[sflag:s4] =	ssyncset.s32 $0xFFFFF086  }
0x25: {  	[simem:s6], [sflag:s4] =	dma.local [hbm:s3], $0xF7A  }
0x26: {  	[smem:$0x3F86] =	sst s1;
	(tag) =	ssettag s2;
	_ =	strace s9  }
0x27: {  	s1 =	sld [smem:$0x3F96]  }
0x28: {  	s2 =	sld [smem:$0x3F97]  }
0x29: {  	s4 =	sld [smem:$0x3F99]  }
0x2a: {  	p0 =	seq.s32 s5, $0x0;
	s5 =	sld [smem:$0x3F9A]  }
0x2b: {  	s6 =	sld [smem:$0x3F9B]  }
0x2c: {  	s7 =	sld [smem:$0x3F9C]  }
0x2d: {  	s3 =	simm.s32 $0x108;
	s8 =	sld [smem:$0x3F9D]  }
0x2e: {  	s3 =	simm.s32 @!p0 $0x1082;
	s9 =	sld [smem:$0x3F9E]  }
0x2f: {  	lr =	sadd.s32 s0, s3;
	s0 =	sld [smem:$0x3F95]  }
0x30: {  	s3 =	sld [smem:$0x3F98]  }
0x31: {  	[smem:$0x3FA1] =	sst s10  }
0x32: {  	s10 =	sld [smem:$0x3F9F];
	_ =	sdelay $0x3  }
0x33: {  	p0 =	seq.s32 s10, $0x1;
	s10 =	sld [smem:$0x3FA1];
	_ =	sdelay $0x3  }
0x34: {  	[smem:$0x3FA1] =	sst s10  }
0x35: {  	s10 =	sld [smem:$0x3FA0];
	_ =	sdelay $0x3  }
0x36: {  	p1 =	seq.s32 s10, $0x1;
	s10 =	sld [smem:$0x3FA1];
	_ =	sdelay $0x3  }
0x37: {  	[smem:$0x3FA1] =	sst s10  }
0x38: {  	s10 =	sld [smem:$0x3FA2]  }
0x39: {  	_ = 	snop;
	(pc) =	sbr.ind lr, $3  }
0x3a: {  	_ = 	snop  }
0x3b: {  	_ = 	snop  }
0x3c: {  	p2 =	seq.s32 s10, $0x1;
	s10 =	sld [smem:$0x3FA1]  }
0x3d: {  	_ =	shalt  }
0x3e: {  	_ =	shalt  }
0x3f: {  	_ =	shalt  }
0x40: {  	_ =	shalt  }
0x41: {  	_ =	shalt  }
0x42: {  	_ =	shalt  }
0x43: {  	_ =	shalt  }
0x44: {  	_ =	shalt  }
0x45: {  	_ =	shalt  }
0x46: {  	_ =	shalt  }
0x47: {  	_ =	shalt  }
0x48: {  	_ =	shalt  }
0x49: {  	_ =	shalt  }
0x4a: {  	_ =	shalt  }
0x4b: {  	_ =	shalt  }
0x4c: {  	_ =	shalt  }
0x4d: {  	_ =	shalt  }
0x4e: {  	_ =	shalt  }
0x4f: {  	_ =	shalt  }
0x50: {  	_ =	shalt  }
0x51: {  	_ =	shalt  }
0x52: {  	_ =	shalt  }
0x53: {  	_ =	shalt  }
0x54: {  	_ =	shalt  }
0x55: {  	_ =	shalt  }
0x56: {  	_ =	shalt  }
0x57: {  	_ =	shalt  }
0x58: {  	_ =	shalt  }
0x59: {  	_ =	shalt  }
0x5a: {  	_ =	shalt  }
0x5b: {  	_ =	shalt  }
0x5c: {  	_ =	shalt  }
0x5d: {  	_ =	shalt  }
0x5e: {  	_ =	shalt  }
0x5f: {  	_ =	shalt  }
0x60: {  	_ =	shalt  }
0x61: {  	_ =	shalt  }
0x62: {  	_ =	shalt  }
0x63: {  	_ =	shalt  }
0x64: {  	_ =	shalt  }
0x65: {  	_ =	shalt  }
0x66: {  	_ =	shalt  }
0x67: {  	_ =	shalt  }
0x68: {  	_ =	shalt  }
0x69: {  	_ =	shalt  }
0x6a: {  	_ =	shalt  }
0x6b: {  	_ =	shalt  }
0x6c: {  	_ =	shalt  }
0x6d: {  	_ =	shalt  }
0x6e: {  	_ =	shalt  }
0x6f: {  	_ =	shalt  }
0x70: {  	_ =	shalt  }
0x71: {  	_ =	shalt  }
0x72: {  	_ =	shalt  }
0x73: {  	_ =	shalt  }
0x74: {  	_ =	shalt  }
0x75: {  	_ =	shalt  }
0x76: {  	_ =	shalt  }
0x77: {  	_ =	shalt  }
0x78: {  	_ =	shalt  }
0x79: {  	_ =	shalt  }
0x7a: {  	_ =	shalt  }
0x7b: {  	_ =	shalt  }
0x7c: {  	_ =	shalt  }
0x7d: {  	_ =	shalt  }
0x7e: {  	_ =	shalt  }
0x7f: {  	_ =	shalt  }
0x80: {  	_ =	shalt  }
0x81: {  	_ =	shalt  }
0x82: {  	_ =	shalt  }
0x83: {  	_ =	shalt  }
0x84: {  	_ =	shalt  }
0x85: {  	_ =	shalt  }
0x86: {  	_ =	shalt  }
0x87: {  	_ =	shalt  }
.Lfunc_end0:
.L_simem_size_0:
called_computation.1_lowered:
.L_overlay_start_0:
0x88: {  	s2 =	sld [smem:$0x3FD9]  }
0x89: {  	s3 =	sld [smem:$0x3FFE];
	_ =	sdelay $0x1  }
0x8a: {  	s1 =	srdreg.scid  }
0x8b: {  	s0 =	sand.u32 $0x1, s1  }
0x8c: {  	s17 =	sshll.u32 s0, $0xA;
	s2 =	sadd.s32 s3, s2  }
0x8d: {  	s2 =	sadd.s32 s2, s17  }
0x8e: {  	[smem:$0x3FAD] =	sst s2  }
0x8f: {  	_ = 	snop  }
0x90: {  	s18 =	sld [smem:$0x3FD0];
	(tm) =	ssettm $0x1  }
0x91: {  	s19 =	sld [smem:$0x3FFB];
	_ =	sdelay $0x3  }
0x92: {  	_ =	strace s19  }
0x93: {  	s2 =	sld [smem:$0x3FFC];
	_ =	sdelay $0x3  }
0x94: {  	_ =	strace s2  }
0x95: {  	s2 =	sld [smem:$0x3FFD];
	_ =	sdelay $0x3  }
0x96: {  	_ =	strace s2  }
0x97: {  	_ =	strace $0x8FFFFFFF  }
0x98: {  	s20 =	sld [smem:$0x3FDB];
	_ =	sdelay $0x1  }
0x99: {  	s4 =	simm.s32 $_scs_section_size  }
0x9a: {  	s5 =	simm.s32 $_size__tile_overlayer_lowered;
	s6 =	simm.s32 $_tile_overlayer_lowered  }
0x9b: {  	s7 =	simm.s32 $0x1BFF;
	s21 =	sshll.u32 s6, $0x1;
	s4 =	sadd.s32 s4, s20  }
0x9c: {  	s22 =	simm.s32 $0x0;
	s5 =	sshll.u32 s5, $0x1;
	s6 =	sadd.s32 s21, s4  }
0x9d: {  	[timem:s22], [sflag:s7] =	dma.local [hbm:s6], s5  }
0x9e: {  	_ =	swait.ge [sflag:s7], s5  }
0x9f: {  	s5 =	ssub.s32 $0x0, s5;
	[sflag:s7] =	ssyncset.done $0x0  }
0xa0: {  	[sflag:s7] =	ssyncadd.s32 s5;
	_ =	sdelay $0x1  }
0xa1: {  	s23 =	simm.s32 $0x1B8B  }
0xa2: {  	_ =	swait.ge [sflag:s23], $0x1  }
0xa3: {  	[sflag:s23] =	ssyncset.done $0x0  }
0xa4: {  	[sflag:s23] =	ssyncadd.s32 $0xFFFFFFFF  }
0xa5: {  	s5 =	sld [smem:$0x0]  }
0xa6: {  	s6 =	sand.u32 $0xFFFFFFFE, s1  }
0xa7: {  	p0 =	sne.s32 s1, s6  }
0xa8: {  	s6 =	sshll.u32 @p0 s6, $0xE  }
0xa9: {  	s6 =	sadd.s32 @p0 $0x11B8D, s6;
	s7 =	sshll.u32 @p0 s5, $0x11  }
0xaa: {  	s6 =	sor.u32 @p0 s7, s6  }
0xab: {  	[sflag:s6] =	ssyncadd.remote.s32 @p0 $0x1;
	_ =	sdelay $0x1  }
0xac: {  	s6 =	simm.s32 @p0 $0x1B8D  }
0xad: {  	_ =	swait.eq @p0 [sflag:s6], $0x1  }
0xae: {  	[sflag:s6] =	ssyncadd.s32 @p0 $0xFFFFFFFF  }
0xaf: {  	s7 =	sshll.u32 @!p0 s1, $0xE  }
0xb0: {  	s7 =	sor.u32 @!p0 $0x4000, s7;
	s6 =	simm.s32 @!p0 $0x1B8D  }
0xb1: {  	s5 =	sshll.u32 @!p0 s5, $0x11;
	s7 =	sadd.s32 @!p0 $0x11B8D, s7;
	_ =	swait.eq @!p0 [sflag:s6], $0x1  }
0xb2: {  	s5 =	sor.u32 @!p0 s5, s7;
	[sflag:s6] =	ssyncadd.s32 @!p0 $0xFFFFFFFF  }
0xb3: {  	s25 =	simm.s32 $0x1B8E;
	s24 =	sld [smem:$0x3FFE];
	[sflag:s5] =	ssyncadd.remote.s32 @!p0 $0x1  }
0xb4: {  	s26 =	simm.s32 $execute0_lowered;
	[smem:$0x3FD2] =	sst s25  }
0xb5: {  	s6 =	sshll.u32 s26, $0x1;
	_ =	strace $0x80000049;
	[dreg:$0x1] =	wrdreg $0xFFFFFFFF  }
0xb6: {  	s28 =	simm.s32 $_size_execute0_lowered;
	s4 =	sadd.s32 s4, s6;
	[dreg:$0x0] =	wrdreg $0x0  }
0xb7: {  	s6 =	sshll.u32 s28, $0x1;
	[dreg:$0x2] =	wrdreg s4  }
0xb8: {  	[dreg:$0x3] =	wrdreg s6  }
0xb9: {  	[dreg:$0x4] =	wrdreg $0xC0  }
0xba: {  	_ =	task [dreg:s22], $0x5FFFF  }
0xbb: {  	[dreg:$0x1] =	wrdreg $0xFFFFFFFF  }
0xbc: {  	[dreg:$0x0] =	wrdreg $0x60  }
0xbd: {  	[dreg:$0x2] =	wrdreg s18  }
0xbe: {  	[dreg:$0x3] =	wrdreg s24  }
0xbf: {  	[dreg:$0x4] =	wrdreg $0x28800  }
0xc0: {  	[dreg:$0x5] =	wrdreg $0xA  }
0xc1: {  	_ =	task.clear_ibuf [dreg:s22], $0x6FFFF;
	_ =	strace $0x90000049  }
0xc2: {  	s29 =	simm.s32 $0xA;
	_ =	strace $0x8000004B  }
0xc3: {  	_ =	swait.ge [sflag:s29], $0x1  }
0xc4: {  	[sflag:s29] =	ssyncadd.s32 $0xFFFFFFFF  }
0xc5: {  	_ =	strace $0x9000004B  }
0xc6: {  	_ =	sfence  }
0xc7: {  	s30 =	sld [smem:$0x0];
	_ =	sdelay $0x2  }
0xc8: {  	s31 =	sshll.u32 s1, $0xD;
	s1 =	sshrl.u32 s1, $0x2  }
0xc9: {  	s4 =	sand.u32 $0x4000, s31;
	s1 =	sadd.s32 s1, s30  }
0xca: {  	s0 =	sor.u32 s4, s0;
	s1 =	sshll.u32 s1, $0x11  }
0xcb: {  	s0 =	sor.u32 s1, s0  }
0xcc: {  	s0 =	sadd.s32 $0x8F2B, s0  }
0xcd: {  	[sflag:s0] =	ssyncadd.remote.s32 $0x1  }
0xce: {  	_ =	sfence.sel $0xFFFF  }
0xcf: {  	[dreg:$0x0] =	wrdreg $0xFFFFFFFF;
	(pc) =	sbr.abs _section_cstart, $3  }
0xd0: {  	[dreg:$0x1] =	wrdreg $0xFFFFFFFF  }
0xd1: {  	_ =	task.clear_ibuf [dreg:s22], $0x2FFFF;
	_ =	strace $0x9FFFFFFF  }
0xd2: {  	(tm) =	ssettm $0x7FFFFFFF  }
0xd3: {  	_ =	shalt  }
tec
execute0_lowered:
.L_overlay_start_1:
0x0: {  	(tag) =	ssettag $0x1  }
0x1: {  	s5 =	rddreg [dreg:$0x0]  }
0x2: {  	s1 =	srdreg.scid;
	s4 =	rddreg [dreg:$0x1]  }
0x3: {  	s0 =	stileid.u32;
	s2 =	rddreg [dreg:$0x2];
	s3 =	simm.s32 $0x0  }
0x4: {  	s13 =	simm.s32 $0x50;
	s14 =	simm.s32 $0x80;
	s7 =	smul.u32 $0x4E20, s0  }
0x5: {  	s15 =	simm.s32 $0x1;
	s16 =	simm.s32 $0x0;
	s28 =	smul.u32 $0x4E200, s0  }
0x6: {  	s6 =	sand.u32 $0x1, s1;
	s1 =	rddreg [dreg:$0x3];
	s10 =	smul.u32 $0x50000, s0  }
0x7: {  	[smem:$0x7FF] =	sst s3;
	s11 =	smul.u32 $0x2800, s0;
	p0 =	seq.s32 s0, $0xF  }
0x8: {  	s8 =	smul.u32 $0x2710, s6;
	_ =	strace $0x8000004A;
	s29 =	ssub.s32 $0x2, s6  }
0x9: {  	s6 =	smul.u32 $0x27100, s6;
	s30 =	sshrl.u32 s29, $0x1;
	s31 =	sshrl.u32 s10, $0x2  }
0xa: {  	s10 =	sadd.s32 $0x12C000, s2;
	s7 =	sadd.s32 s8, s7;
	s8 =	sadd.s32 s28, s4  }
0xb: {  	s12 =	sadd.s32 s31, s2;
	s7 =	sshrl.u32 s7, $0x3;
	s8 =	sadd.s32 s6, s8  }
0xc: {  	s9 =	sadd.s32 s7, s4;
	s7 =	ssub.s32 s29, s30;
	s4 =	sadd.s32 s5, s11  }
0xd: {  	s5 =	sadd.s32 $0x25800, s5;
	s11 =	sshll.u32 @!p0 s0, $0x6;
	s6 =	smax.u32 s7, $0x1  }
0xe: {  	s7 =	sadd.s32 $0x9DC800, s8;
	s8 =	sadd.s32 $0xEA00, s9;
	s9 =	sshrl.u32 @p0 s10, $0x3  }
0xf: {  	s10 =	sor.u32 @!p0 $0x1C02, s11;
	s11 =	sshrl.u32 @!p0 s12, $0x3;
	s12 =	simm.s32 $0x2  }
.LBB2_1:
0x10: {  	s17 =	simm.s32 @p0 $0x1FC2  }
0x11: {  	[spmem:s9], [sflag:s17] =	dma.local @p0 [hbm:s5], $0x1900  }
0x12: {  	s17 =	simm.s32 @p0 $0x2  }
0x13: {  	_ =	swait.ge @p0 [sflag:s17], $0x1900  }
0x14: {  	[sflag:s17] =	ssyncset.done @p0 $0x0  }
0x15: {  	[sflag:s17] =	ssyncadd.s32 @p0 $0xFFFFE700;
	s17 =	simm.s32 @!p0 $0x2  }
0x16: {  	[spmem:s11], [sflag:s10] =	dma.local @!p0 [hbm:s4], $0x2800  }
0x17: {  	_ =	swait.ge @!p0 [sflag:s17], $0x2800  }
0x18: {  	[sflag:s17] =	ssyncset.done @!p0 $0x0  }
0x19: {  	[sflag:s17] =	ssyncadd.s32 @!p0 $0xFFFFD800  }
0x1a: {  	s31 =	sadd.s32 $0x0, s8;
	[bflag:$0x0] =	sbarrier.arrive $0xFFFF  }
0x1b: {  	[tilespmem:s3], [sflag:$0x2] =	stream.linear.gather [hbm4b:s31+s3], $0x50, $0x38;
	[tilespmem:$0x16880] =	vst v63  }
0x1c: {  	_ =	swait.ge [sflag:s12], $0x50  }
0x1d: {  	[sflag:s12] =	ssyncset.done $0x0  }
0x1e: {  	[sflag:s12] =	ssyncadd.s32 $0xFFFFFFB0  }
0x1f: {  	[tilespmem:s14], [sflag:$0x1] =	stream.indirect.gather [spmem:s2], $0x80, s3, s13, $0xb8;
	[tilespmem:$0x16880] =	vst v63  }
0x20: {  	_ =	swait.ge [sflag:s15], $0x2800  }
0x21: {  	[sflag:s15] =	ssyncset.done $0x0  }
0x22: {  	[sflag:s15] =	ssyncadd.s32 $0xFFFFD800  }
0x23: {  	[hbm4b:s7+s3] =	stream.linear.scatter [tilespmem:s14], [sflag:$0x2], $0x2800, $0x38;
	[tilespmem:$0x16880] =	vst v63  }
0x24: {  	s18 =	simm.s32 $0xA;
	_ =	swait.ge [sflag:s12], $0x2800  }
0x25: {  	s19 =	simm.s32 $0x14;
	s17 =	sadd.s32 $0x500, s7;
	[sflag:s12] =	ssyncset.done $0x0  }
.LBB2_2:
0x26: {  	s20 =	sadd.s32 s18, s8  }
0x27: {  	[sflag:s12] =	ssyncadd.s32 $0xFFFFD800;
	s18 =	smov.u32 s19;
	s21 =	sadd.s32 $0xA, s19  }
0x28: {  	[tilespmem:s3], [sflag:$0x2] =	stream.linear.gather [hbm4b:s20+s3], $0x50, $0x38;
	[tilespmem:$0x16880] =	vst v63  }
0x29: {  	p1 =	sne.s32 s19, $0x4D8;
	_ =	swait.ge [sflag:s12], $0x50  }
0x2a: {  	[sflag:s12] =	ssyncset.done $0x0  }
0x2b: {  	[sflag:s12] =	ssyncadd.s32 $0xFFFFFFB0  }
0x2c: {  	[tilespmem:s14], [sflag:$0x1] =	stream.indirect.gather [spmem:s2], $0x80, s3, s13, $0xb8;
	[tilespmem:$0x16880] =	vst v63  }
0x2d: {  	_ =	swait.ge [sflag:s15], $0x2800  }
.Ltmp0:
0x2e: {  	[sflag:s15] =	ssyncset.done $0x0;
	(pc) =	sbr.rel @p1 .LBB2_2-.Ltmp0, $4  }
0x2f: {  	[sflag:s15] =	ssyncadd.s32 $0xFFFFD800  }
0x30: {  	[hbm4b:s17+s3] =	stream.linear.scatter [tilespmem:s14], [sflag:$0x2], $0x2800, $0x38;
	[tilespmem:$0x16880] =	vst v63  }
0x31: {  	_ =	swait.ge [sflag:s12], $0x2800  }
0x32: {  	s19 =	smov.u32 s21;
	s17 =	sadd.s32 $0x500, s17;
	[sflag:s12] =	ssyncset.done $0x0  }
0x33: {  	s18 =	sadd.s32 s18, s8;
	[sflag:s12] =	ssyncadd.s32 $0xFFFFD800  }
0x34: {  	[tilespmem:s3], [sflag:$0x2] =	stream.linear.gather [hbm4b:s18+s3], $0x50, $0x38;
	[tilespmem:$0x16880] =	vst v63  }
0x35: {  	_ =	swait.ge [sflag:s12], $0x50  }
0x36: {  	[sflag:s12] =	ssyncset.done $0x0  }
0x37: {  	[sflag:s12] =	ssyncadd.s32 $0xFFFFFFB0  }
0x38: {  	[tilespmem:s14], [sflag:$0x1] =	stream.indirect.gather [spmem:s2], $0x80, s3, s13, $0xb8;
	[tilespmem:$0x16880] =	vst v63  }
0x39: {  	s16 =	sadd.s32 $0x1, s16;
	_ =	swait.ge [sflag:s15], $0x2800  }
0x3a: {  	p1 =	sne.s32 s16, s6;
	[sflag:s15] =	ssyncset.done $0x0  }
.Ltmp1:
0x3b: {  	[sflag:s15] =	ssyncadd.s32 $0xFFFFD800;
	(pc) =	sbr.rel @p1 .LBB2_1-.Ltmp1, $4  }
0x3c: {  	[hbm4b:s17+s3] =	stream.linear.scatter [tilespmem:s14], [sflag:$0x2], $0x2800, $0x38;
	[tilespmem:$0x16880] =	vst v63  }
0x3d: {  	_ =	swait.ge [sflag:s12], $0x2800  }
0x3e: {  	[sflag:s12] =	ssyncset.done $0x0  }
0x3f: {  	[sflag:s12] =	ssyncadd.s32 $0xFFFFD800  }
0x40: {  	_ =	sfence.sel $0x180000  }
0x41: {  	[bflag:$0x0] =	sbarrier.arrive $0xFFFF  }
0x42: {  	p0 =	sne.s32 s0, $0x0;
	_ =	strace $0x9000004A  }
0x43: {  	s0 =	sadd.s32 @!p0 $0x100000, s1;
	[bflag:$0x2] =	sbarrier.arrive $0xFFFF  }
0x44: {  	[sflag:s0] =	ssyncadd.tile.s32 @!p0 $0x1;
	_ =	shalt  }
.Lfunc_end2:
_tile_overlayer_lowered:
.L_overlay_start_2:
0x45: {  	(tag) =	ssettag $0x2  }
0x46: {  	s0 =	rddreg [dreg:$0x0];
	s2 =	stileid.u32  }
0x47: {  	s1 =	rddreg [dreg:$0x1];
	p0 =	sne.s32 s2, $0x0  }
0x48: {  	s3 =	rddreg [dreg:$0x2];
	[bflag:$0x3] =	sbarrier.arrive $0xFFFF;
	s2 =	simm.s32 @!p0 $0x1C02  }
0x49: {  	[timem:s3], [sflag:s2] =	dma.local @!p0 [hbm:s0], s1  }
0x4a: {  	s0 =	simm.s32 @!p0 $0x2  }
0x4b: {  	_ =	swait.ge @!p0 [sflag:s0], s1  }
0x4c: {  	s1 =	ssub.s32 @!p0 $0x0, s1;
	[sflag:s0] =	ssyncset.done @!p0 $0x0  }
0x4d: {  	[sflag:s0] =	ssyncadd.s32 @!p0 s1  }
0x4e: {  	[bflag:$0x3] =	sbarrier.arrive $0xFFFF  }
0x4f: {  	_ =	shalt  }

// kernel: kernel.14.cloned.1.call-start
scs
__scs_entry_jumppad:
0x0: {  	(pc) =	sbr.rel $0x88, $3  }
0x1: {  	(tag) =	ssettag $0x0;
	lr =	simm.s32 $0x1  }
0x2: {  	[smem:$0x3F86] =	sst lr;
	_ =	strace $0xD0000000  }
0x3: {  	_ = 	snop  }
0x4: {  	_ = 	snop  }
0x5: {  	_ = 	snop  }
0x6: {  	_ = 	snop  }
0x7: {  	_ = 	snop  }
__scs_overlays_trampoline_lowered:
0x8: {  	[smem:$0x3F95] =	sst s0  }
0x9: {  	[smem:$0x3F96] =	sst s1  }
0xa: {  	[smem:$0x3F97] =	sst s2  }
0xb: {  	[smem:$0x3F98] =	sst s3  }
0xc: {  	[smem:$0x3F99] =	sst s4  }
0xd: {  	[smem:$0x3F9A] =	sst s5  }
0xe: {  	[smem:$0x3F9B] =	sst s6  }
0xf: {  	[smem:$0x3F9C] =	sst s7  }
0x10: {  	[smem:$0x3F9D] =	sst s8  }
0x11: {  	[smem:$0x3F9E] =	sst s9;
	s0 =	simm.s32 @!p0 $0x0  }
0x12: {  	s1 =	sld [smem:$0x3F84];
	s0 =	simm.s32 @p0 $0x1  }
0x13: {  	[smem:$0x3F9F] =	sst s0;
	s0 =	simm.s32 @!p1 $0x0  }
0x14: {  	s2 =	sld [smem:$0x3F83];
	s0 =	simm.s32 @p1 $0x1  }
0x15: {  	[smem:$0x3FA0] =	sst s0;
	s0 =	simm.s32 @!p2 $0x0  }
0x16: {  	s3 =	sld [smem:$0x3FDB];
	s0 =	simm.s32 @p2 $0x1  }
0x17: {  	s4 =	simm.s32 $0x1BF5;
	[smem:$0x3FA2] =	sst s0  }
0x18: {  	s0 =	sld [smem:$0x3F85];
	_ =	swait.ge [sflag:s4], $0x0  }
0x19: {  	s7 =	sld [smem:$0x3F86]  }
0x1a: {  	s8 =	sadd.s32 $0xFFFFE003, lr  }
0x1b: {  	s9 =	sadd.s32 $0xFFFFFEF7, lr;
	s5 =	simm.s32 $0xFFFFFFFF;
	p2 =	slt.u32 s8, $0xFFFFF086  }
0x1c: {  	p1 =	slt.u32 s9, $0xF7A;
	s5 =	simm.s32 @!p2 $0x0  }
0x1d: {  	s5 =	simm.s32 @p1 $0x1;
	p0 =	seq.s32 s7, s2  }
0x1e: {  	s7 =	smul.u32 @!p0 $0xF7A, s2;
	p2 =	seq.s32 @!p0 s5, $0x0  }
0x1f: {  	s9 =	smul.u32 $0xF7A, s1;
	s8 =	simm.s32 @!p0 $0x1BF5;
	p2 =	por !p2, p0  }
0x20: {  	[sflag:s8] =	ssyncset.s32 @!p0 $0xFFFFF086;
	s6 =	sadd.s32 @!p0 s3, s7;
	s7 =	simm.s32 @!p0 $0x108  }
0x21: {  	s3 =	sadd.s32 s3, s9;
	s6 =	sadd.s32 @!p0 $0x88, s6;
	s7 =	simm.s32 @p2 $0x1082  }
0x22: {  	[simem:s7], [sflag:s8] =	dma.local @!p0 [hbm:s6], $0xF7A  }
0x23: {  	s9 =	sor.u32 $0xD0000000, s2;
	s6 =	simm.s32 $0x108;
	_ =	swait.ge @!p0 [sflag:s8], $0x0  }
0x24: {  	s3 =	sadd.s32 $0x88, s3;
	s6 =	simm.s32 @!p1 $0x1082;
	[sflag:s4] =	ssyncset.s32 $0xFFFFF086  }
0x25: {  	[simem:s6], [sflag:s4] =	dma.local [hbm:s3], $0xF7A  }
0x26: {  	[smem:$0x3F86] =	sst s1;
	(tag) =	ssettag s2;
	_ =	strace s9  }
0x27: {  	s1 =	sld [smem:$0x3F96]  }
0x28: {  	s2 =	sld [smem:$0x3F97]  }
0x29: {  	s4 =	sld [smem:$0x3F99]  }
0x2a: {  	p0 =	seq.s32 s5, $0x0;
	s5 =	sld [smem:$0x3F9A]  }
0x2b: {  	s6 =	sld [smem:$0x3F9B]  }
0x2c: {  	s7 =	sld [smem:$0x3F9C]  }
0x2d: {  	s3 =	simm.s32 $0x108;
	s8 =	sld [smem:$0x3F9D]  }
0x2e: {  	s3 =	simm.s32 @!p0 $0x1082;
	s9 =	sld [smem:$0x3F9E]  }
0x2f: {  	lr =	sadd.s32 s0, s3;
	s0 =	sld [smem:$0x3F95]  }
0x30: {  	s3 =	sld [smem:$0x3F98]  }
0x31: {  	[smem:$0x3FA1] =	sst s10  }
0x32: {  	s10 =	sld [smem:$0x3F9F];
	_ =	sdelay $0x3  }
0x33: {  	p0 =	seq.s32 s10, $0x1;
	s10 =	sld [smem:$0x3FA1];
	_ =	sdelay $0x3  }
0x34: {  	[smem:$0x3FA1] =	sst s10  }
0x35: {  	s10 =	sld [smem:$0x3FA0];
	_ =	sdelay $0x3  }
0x36: {  	p1 =	seq.s32 s10, $0x1;
	s10 =	sld [smem:$0x3FA1];
	_ =	sdelay $0x3  }
0x37: {  	[smem:$0x3FA1] =	sst s10  }
0x38: {  	s10 =	sld [smem:$0x3FA2]  }
0x39: {  	_ = 	snop;
	(pc) =	sbr.ind lr, $3  }
0x3a: {  	_ = 	snop  }
0x3b: {  	_ = 	snop  }
0x3c: {  	p2 =	seq.s32 s10, $0x1;
	s10 =	sld [smem:$0x3FA1]  }
0x3d: {  	_ =	shalt  }
0x3e: {  	_ =	shalt  }
0x3f: {  	_ =	shalt  }
0x40: {  	_ =	shalt  }
0x41: {  	_ =	shalt  }
0x42: {  	_ =	shalt  }
0x43: {  	_ =	shalt  }
0x44: {  	_ =	shalt  }
0x45: {  	_ =	shalt  }
0x46: {  	_ =	shalt  }
0x47: {  	_ =	shalt  }
0x48: {  	_ =	shalt  }
0x49: {  	_ =	shalt  }
0x4a: {  	_ =	shalt  }
0x4b: {  	_ =	shalt  }
0x4c: {  	_ =	shalt  }
0x4d: {  	_ =	shalt  }
0x4e: {  	_ =	shalt  }
0x4f: {  	_ =	shalt  }
0x50: {  	_ =	shalt  }
0x51: {  	_ =	shalt  }
0x52: {  	_ =	shalt  }
0x53: {  	_ =	shalt  }
0x54: {  	_ =	shalt  }
0x55: {  	_ =	shalt  }
0x56: {  	_ =	shalt  }
0x57: {  	_ =	shalt  }
0x58: {  	_ =	shalt  }
0x59: {  	_ =	shalt  }
0x5a: {  	_ =	shalt  }
0x5b: {  	_ =	shalt  }
0x5c: {  	_ =	shalt  }
0x5d: {  	_ =	shalt  }
0x5e: {  	_ =	shalt  }
0x5f: {  	_ =	shalt  }
0x60: {  	_ =	shalt  }
0x61: {  	_ =	shalt  }
0x62: {  	_ =	shalt  }
0x63: {  	_ =	shalt  }
0x64: {  	_ =	shalt  }
0x65: {  	_ =	shalt  }
0x66: {  	_ =	shalt  }
0x67: {  	_ =	shalt  }
0x68: {  	_ =	shalt  }
0x69: {  	_ =	shalt  }
0x6a: {  	_ =	shalt  }
0x6b: {  	_ =	shalt  }
0x6c: {  	_ =	shalt  }
0x6d: {  	_ =	shalt  }
0x6e: {  	_ =	shalt  }
0x6f: {  	_ =	shalt  }
0x70: {  	_ =	shalt  }
0x71: {  	_ =	shalt  }
0x72: {  	_ =	shalt  }
0x73: {  	_ =	shalt  }
0x74: {  	_ =	shalt  }
0x75: {  	_ =	shalt  }
0x76: {  	_ =	shalt  }
0x77: {  	_ =	shalt  }
0x78: {  	_ =	shalt  }
0x79: {  	_ =	shalt  }
0x7a: {  	_ =	shalt  }
0x7b: {  	_ =	shalt  }
0x7c: {  	_ =	shalt  }
0x7d: {  	_ =	shalt  }
0x7e: {  	_ =	shalt  }
0x7f: {  	_ =	shalt  }
0x80: {  	_ =	shalt  }
0x81: {  	_ =	shalt  }
0x82: {  	_ =	shalt  }
0x83: {  	_ =	shalt  }
0x84: {  	_ =	shalt  }
0x85: {  	_ =	shalt  }
0x86: {  	_ =	shalt  }
0x87: {  	_ =	shalt  }
.Lfunc_end0:
.L_simem_size_0:
called_computation.2_lowered:
.L_overlay_start_0:
0x88: {  	s2 =	sld [smem:$0x3FD9]  }
0x89: {  	s3 =	sld [smem:$0x3FFE];
	_ =	sdelay $0x1  }
0x8a: {  	s1 =	srdreg.scid  }
0x8b: {  	s0 =	sand.u32 $0x1, s1  }
0x8c: {  	s17 =	sshll.u32 s0, $0xA;
	s2 =	sadd.s32 s3, s2  }
0x8d: {  	s2 =	sadd.s32 s2, s17  }
0x8e: {  	[smem:$0x3FAD] =	sst s2  }
0x8f: {  	_ = 	snop  }
0x90: {  	s2 =	sld [smem:$0x3FD0];
	(tm) =	ssettm $0x1  }
0x91: {  	s18 =	sld [smem:$0x3FFB];
	_ =	sdelay $0x3  }
0x92: {  	_ =	strace s18  }
0x93: {  	s3 =	sld [smem:$0x3FFC];
	_ =	sdelay $0x3  }
0x94: {  	_ =	strace s3  }
0x95: {  	s3 =	sld [smem:$0x3FFD];
	_ =	sdelay $0x3  }
0x96: {  	_ =	strace s3  }
0x97: {  	_ =	strace $0x8FFFFFFF  }
0x98: {  	s19 =	sld [smem:$0x3FDB];
	_ =	sdelay $0x1  }
0x99: {  	s4 =	simm.s32 $_scs_section_size  }
0x9a: {  	s5 =	simm.s32 $_size__tile_overlayer_lowered;
	s6 =	simm.s32 $_tile_overlayer_lowered  }
0x9b: {  	s22 =	simm.s32 $0x1BFF;
	s21 =	sshll.u32 s6, $0x1;
	s3 =	sadd.s32 s4, s19  }
0x9c: {  	s7 =	simm.s32 $0x0;
	s20 =	sshll.u32 s5, $0x1;
	s5 =	sadd.s32 s21, s3  }
0x9d: {  	[timem:s7], [sflag:s22] =	dma.local [hbm:s5], s20  }
0x9e: {  	_ =	swait.ge [sflag:s22], s20  }
0x9f: {  	s4 =	ssub.s32 $0x0, s20;
	[sflag:s22] =	ssyncset.done $0x0  }
0xa0: {  	[sflag:s22] =	ssyncadd.s32 s4;
	_ =	sdelay $0x1  }
0xa1: {  	s23 =	simm.s32 $0x1B8B  }
0xa2: {  	_ =	swait.ge [sflag:s23], $0x1  }
0xa3: {  	[sflag:s23] =	ssyncset.done $0x0  }
0xa4: {  	s25 =	simm.s32 $0x1B8E;
	s24 =	sld [smem:$0x3FFE];
	[sflag:s23] =	ssyncadd.s32 $0xFFFFFFFF  }
0xa5: {  	s26 =	simm.s32 $execute0_lowered;
	[smem:$0x3FD2] =	sst s25  }
0xa6: {  	s5 =	sshll.u32 s26, $0x1;
	_ =	strace $0x8000004C;
	[dreg:$0x1] =	wrdreg $0xFFFFFFFF  }
0xa7: {  	s28 =	simm.s32 $_size_execute0_lowered;
	s3 =	sadd.s32 s3, s5;
	[dreg:$0x0] =	wrdreg $0x0  }
0xa8: {  	s5 =	sshll.u32 s28, $0x1;
	[dreg:$0x2] =	wrdreg s3  }
0xa9: {  	[dreg:$0x3] =	wrdreg s5  }
0xaa: {  	[dreg:$0x4] =	wrdreg $0xC0  }
0xab: {  	_ =	task [dreg:s7], $0x5FFFF  }
0xac: {  	[dreg:$0x1] =	wrdreg $0xFFFFFFFF  }
0xad: {  	[dreg:$0x0] =	wrdreg $0x60  }
0xae: {  	[dreg:$0x2] =	wrdreg s24  }
0xaf: {  	[dreg:$0x3] =	wrdreg s2  }
0xb0: {  	[dreg:$0x4] =	wrdreg $0x53800  }
0xb1: {  	[dreg:$0x5] =	wrdreg $0x9  }
0xb2: {  	_ =	task.clear_ibuf [dreg:s7], $0x6FFFF;
	_ =	strace $0x9000004C  }
0xb3: {  	s29 =	simm.s32 $0x9;
	_ =	strace $0x8000004E  }
0xb4: {  	_ =	swait.ge [sflag:s29], $0x1  }
0xb5: {  	[sflag:s29] =	ssyncadd.s32 $0xFFFFFFFF  }
0xb6: {  	_ =	strace $0x9000004E  }
0xb7: {  	_ =	sfence  }
0xb8: {  	s30 =	sld [smem:$0x0];
	_ =	sdelay $0x2  }
0xb9: {  	s31 =	sshll.u32 s1, $0xD;
	s1 =	sshrl.u32 s1, $0x2  }
0xba: {  	s3 =	sand.u32 $0x4000, s31;
	s1 =	sadd.s32 s1, s30  }
0xbb: {  	s0 =	sor.u32 s3, s0;
	s1 =	sshll.u32 s1, $0x11  }
0xbc: {  	s0 =	sor.u32 s1, s0  }
0xbd: {  	s0 =	sadd.s32 $0x8F2B, s0  }
0xbe: {  	[sflag:s0] =	ssyncadd.remote.s32 $0x1  }
0xbf: {  	_ =	sfence.sel $0xFFFF  }
0xc0: {  	[dreg:$0x0] =	wrdreg $0xFFFFFFFF;
	(pc) =	sbr.abs _section_cstart, $3  }
0xc1: {  	[dreg:$0x1] =	wrdreg $0xFFFFFFFF  }
0xc2: {  	_ =	task.clear_ibuf [dreg:s7], $0x2FFFF;
	_ =	strace $0x9FFFFFFF  }
0xc3: {  	(tm) =	ssettm $0x7FFFFFFF  }
tec
execute0_lowered:
.L_overlay_start_1:
0x0: {  	(tag) =	ssettag $0x1  }
0x1: {  	s0 =	rddreg [dreg:$0x0]  }
0x2: {  	s1 =	rddreg [dreg:$0x1]  }
0x3: {  	s3 =	rddreg [dreg:$0x2]  }
0x4: {  	s4 =	simm.s32 $0x0;
	s2 =	stileid.u32;
	s5 =	srdreg.scid  }
0x5: {  	s21 =	simm.s32 $0x50;
	s22 =	simm.s32 $0x2880;
	s6 =	smul.u32 $0x4E200, s2  }
0x6: {  	s23 =	simm.s32 $0x2B80;
	[smem:$0x7FF] =	sst s4;
	s11 =	smul.u32 $0x280, s2  }
0x7: {  	s10 =	sand.u32 $0x1, s5;
	s24 =	sshll.u32 s2, $0x1;
	s13 =	smul.u32 $0x50000, s2  }
0x8: {  	s5 =	sadd.s32 $0x18800, s0;
	s12 =	sadd.s32 $0x66A00, s0;
	s20 =	smul.u32 $0x4E20, s2  }
0x9: {  	s26 =	sshll.u32 s2, $0x6;
	p0 =	seq.s32 s2, $0xF;
	s17 =	smul.u32 $0x2710, s10  }
0xa: {  	_ =	strace $0x8000004D;
	s7 =	sor.u32 s10, s24;
	s28 =	smul.u32 $0x138800, s10  }
0xb: {  	s8 =	ssub.s32 $0x2, s10;
	s18 =	smul.u32 $0x27100, s10;
	s24 =	simm.s32 $0x0  }
0xc: {  	s15 =	sadd.s32 s6, s0;
	s6 =	smul.u32 $0x2710, s7;
	s7 =	sadd.s32 $0xEA00, s0  }
0xd: {  	s9 =	sshrl.u32 s8, $0x1;
	s0 =	sadd.s32 $0xB4C00, s0;
	s25 =	sshrl.u32 s13, $0x2  }
0xe: {  	s16 =	ssub.s32 s8, s9;
	s8 =	sadd.s32 s25, s3;
	s9 =	sor.u32 $0x1C01, s26  }
0xf: {  	s11 =	sadd.s32 s11, s17;
	s29 =	sshrl.u32 s28, $0x3;
	s30 =	sadd.s32 s18, s15  }
0x10: {  	s17 =	sadd.s32 s17, s20;
	s20 =	simm.s32 $0x80;
	s14 =	sshll.u32 s11, $0x4  }
0x11: {  	s19 =	sadd.s32 $0x25800, s29;
	s11 =	sadd.s32 $0x12C000, s3;
	s15 =	smax.u32 s16, $0x1  }
0x12: {  	s16 =	sadd.s32 $0x1882800, s30;
	s31 =	sshrl.u32 s17, $0x3;
	s18 =	sshrl.u32 s8, $0x3  }
0x13: {  	v0 =	vimm.f32 $0.0e+00;
	vm0 =	vcmask $0x1F00;
	s10 =	sadd.s32 s12, s14;
	s12 =	sadd.s32 s12, s19;
	s13 =	sadd.s32 s0, s14  }
0x14: {  	v1 =	vsel vm0, $0x3F800000, v0;
	s14 =	sadd.s32 s0, s19;
	s17 =	sadd.s32 s31, s7;
	s19 =	simm.s32 $0x1  }
.LBB2_1:
0x15: {  	[spmem:s18], [sflag:s9] =	dma.local [hbm:s1], $0x2800  }
0x16: {  	_ =	swait.ge [sflag:s19], $0x2800  }
0x17: {  	[sflag:s19] =	ssyncset.done $0x0  }
0x18: {  	[sflag:s19] =	ssyncadd.s32 $0xFFFFD800  }
0x19: {  	s0 =	sadd.s32 $0x0, s17;
	[bflag:$0x0] =	sbarrier.arrive $0xFFFF  }
0x1a: {  	[tilespmem:s4], [sflag:$0x1] =	stream.linear.gather [hbm4b:s0+s4], $0x50, $0x38;
	[tilespmem:$0x19380] =	vst v63  }
0x1b: {  	_ =	swait.ge [sflag:s19], $0x50  }
0x1c: {  	[sflag:s19] =	ssyncset.done $0x0  }
0x1d: {  	[sflag:s19] =	ssyncadd.s32 $0xFFFFFFB0  }
0x1e: {  	[tilespmem:s20], [sflag:$0x1] =	stream.linear.gather [hbm4b:s16+s4], $0x2800, $0x38;
	[tilespmem:$0x19380] =	vst v63  }
0x1f: {  	_ =	swait.ge [sflag:s19], $0x2800  }
0x20: {  	[sflag:s19] =	ssyncset.done $0x0  }
0x21: {  	[sflag:s19] =	ssyncadd.s32 $0xFFFFD800  }
0x22: {  	[spmem:s3] =	stream.indirect.scatter.add.f32 [tilespmem:s20], [sflag:$0x1], $0x80, s4, s21, $0xb8;
	[tilespmem:$0x19380] =	vst v63  }
0x23: {  	s26 =	simm.s32 $0xA;
	_ =	swait.ge [sflag:s19], $0x2800  }
0x24: {  	s28 =	simm.s32 $0x14;
	s25 =	sadd.s32 $0x500, s16;
	[sflag:s19] =	ssyncset.done $0x0  }
.LBB2_2:
0x25: {  	s0 =	sadd.s32 s26, s17  }
0x26: {  	[sflag:s19] =	ssyncadd.s32 $0xFFFFD800;
	s26 =	smov.u32 s28;
	s29 =	sadd.s32 $0xA, s28  }
0x27: {  	[tilespmem:s4], [sflag:$0x1] =	stream.linear.gather [hbm4b:s0+s4], $0x50, $0x38;
	[tilespmem:$0x19380] =	vst v63  }
0x28: {  	p1 =	sne.s32 s28, $0x4D8;
	_ =	swait.ge [sflag:s19], $0x50  }
0x29: {  	[sflag:s19] =	ssyncset.done $0x0  }
0x2a: {  	[sflag:s19] =	ssyncadd.s32 $0xFFFFFFB0  }
0x2b: {  	[tilespmem:s20], [sflag:$0x1] =	stream.linear.gather [hbm4b:s25+s4], $0x2800, $0x38;
	[tilespmem:$0x19380] =	vst v63  }
0x2c: {  	_ =	swait.ge [sflag:s19], $0x2800  }
.Ltmp0:
0x2d: {  	[sflag:s19] =	ssyncset.done $0x0;
	(pc) =	sbr.rel @p1 .LBB2_2-.Ltmp0, $4  }
0x2e: {  	[sflag:s19] =	ssyncadd.s32 $0xFFFFD800  }
0x2f: {  	[spmem:s3] =	stream.indirect.scatter.add.f32 [tilespmem:s20], [sflag:$0x1], $0x80, s4, s21, $0xb8;
	[tilespmem:$0x19380] =	vst v63  }
0x30: {  	_ =	swait.ge [sflag:s19], $0x2800  }
0x31: {  	s28 =	smov.u32 s29;
	s25 =	sadd.s32 $0x500, s25;
	[sflag:s19] =	ssyncset.done $0x0  }
0x32: {  	s0 =	sadd.s32 s26, s17;
	[sflag:s19] =	ssyncadd.s32 $0xFFFFD800  }
0x33: {  	[tilespmem:s4], [sflag:$0x1] =	stream.linear.gather [hbm4b:s0+s4], $0x50, $0x38;
	[tilespmem:$0x19380] =	vst v63  }
0x34: {  	_ =	swait.ge [sflag:s19], $0x50  }
0x35: {  	[sflag:s19] =	ssyncset.done $0x0  }
0x36: {  	[sflag:s19] =	ssyncadd.s32 $0xFFFFFFB0  }
0x37: {  	[tilespmem:s20], [sflag:$0x1] =	stream.linear.gather [hbm4b:s25+s4], $0x2800, $0x38;
	[tilespmem:$0x19380] =	vst v63  }
0x38: {  	_ =	swait.ge [sflag:s19], $0x2800  }
0x39: {  	[sflag:s19] =	ssyncset.done $0x0  }
0x3a: {  	[sflag:s19] =	ssyncadd.s32 $0xFFFFD800  }
0x3b: {  	[spmem:s3] =	stream.indirect.scatter.add.f32 [tilespmem:s20], [sflag:$0x1], $0x80, s4, s21, $0xb8;
	[tilespmem:$0x19380] =	vst v63  }
0x3c: {  	_ =	swait.ge [sflag:s19], $0x2800  }
0x3d: {  	[sflag:s19] =	ssyncset.done $0x0  }
0x3e: {  	[sflag:s19] =	ssyncadd.s32 $0xFFFFD800  }
0x3f: {  	s0 =	simm.s32 @p0 $0x1;
	s25 =	sshrl.u32 @p0 s11, $0x3;
	[bflag:$0x0] =	sbarrier.arrive $0xFFFF  }
0x40: {  	[hbm:s12], [sflag:s9] =	dma.local @p0 [spmem:s25], $0x1900  }
0x41: {  	_ =	swait.ge @p0 [sflag:s0], $0x1900  }
0x42: {  	[sflag:s0] =	ssyncset.done @p0 $0x0  }
0x43: {  	s26 =	sshrl.u32 @!p0 s8, $0x3;
	[sflag:s0] =	ssyncadd.s32 @p0 $0xFFFFE700;
	s0 =	simm.s32 @!p0 $0x1  }
0x44: {  	[hbm:s10], [sflag:s9] =	dma.local @!p0 [spmem:s26], $0x2800  }
0x45: {  	_ =	swait.ge @!p0 [sflag:s0], $0x2800  }
0x46: {  	[sflag:s0] =	ssyncset.done @!p0 $0x0  }
0x47: {  	[sflag:s0] =	ssyncadd.s32 @!p0 $0xFFFFD800  }
0x48: {  	[bflag:$0x0] =	sbarrier.arrive $0xFFFF  }
0x49: {  	[spmem:s18], [sflag:s9] =	dma.local [hbm:s1], $0x2800  }
0x4a: {  	_ =	swait.ge [sflag:s19], $0x2800  }
0x4b: {  	[sflag:s19] =	ssyncset.done $0x0  }
0x4c: {  	[sflag:s19] =	ssyncadd.s32 $0xFFFFD800  }
0x4d: {  	s28 =	simm.s32 $0x0;
	s29 =	simm.s32 $0x200;
	[tilespmem:$0x2B00] =	vst v0  }
.LBB2_4:
0x4e: {  	p1 =	sne.s32 s29, $0x9E00;
	[tilespmem:s28+$0x2BF0] =	vst v0  }
0x4f: {  	[tilespmem:s28+$0x2B80] =	vst v0  }
0x50: {  	[tilespmem:s28+$0x2B90] =	vst v0  }
.Ltmp1:
0x51: {  	[tilespmem:s28+$0x2BA0] =	vst v0;
	(pc) =	sbr.rel @p1 .LBB2_4-.Ltmp1, $4  }
0x52: {  	[tilespmem:s28+$0x2BB0] =	vst v0  }
0x53: {  	[tilespmem:s28+$0x2BC0] =	vst v0  }
0x54: {  	[tilespmem:s28+$0x2BD0] =	vst v0  }
0x55: {  	[tilespmem:s28+$0x2BE0] =	vst v0;
	s28 =	sshra.s32 s29, $0x2;
	s29 =	sadd.s32 $0x200, s29  }
0x56: {  	[tilespmem:s28+$0x2BF0] =	vst v0  }
0x57: {  	[tilespmem:s28+$0x2B80] =	vst v0  }
0x58: {  	[tilespmem:s28+$0x2B90] =	vst v0  }
0x59: {  	[tilespmem:s28+$0x2BA0] =	vst v0  }
0x5a: {  	[tilespmem:s28+$0x2BB0] =	vst v0  }
0x5b: {  	[tilespmem:s28+$0x2BC0] =	vst v0  }
0x5c: {  	[tilespmem:s28+$0x2BD0] =	vst v0  }
0x5d: {  	[tilespmem:s28+$0x2BE0] =	vst v0  }
0x5e: {  	s28 =	simm.s32 $0x0;
	s29 =	simm.s32 $0x0;
	[bflag:$0x0] =	sbarrier.arrive $0xFFFF  }
.LBB2_6:
0x5f: {  	s0 =	smul.u32 $0x50, s29;
	_ =	sdelay $0x1  }
0x60: {  	s0 =	sadd.s32 s6, s0  }
0x61: {  	s30 =	sshrl.u32 s0, $0x3  }
0x62: {  	s30 =	sadd.s32 s7, s30  }
0x63: {  	[tilespmem:s28], [sflag:$0x1] =	stream.linear.gather [hbm4b:s30+s28], $0x50, $0x38;
	[tilespmem:$0x19380] =	vst v63  }
0x64: {  	_ =	swait.ge [sflag:s19], $0x50  }
0x65: {  	[sflag:s19] =	ssyncset.done $0x0  }
0x66: {  	s0 =	sadd.s32 s5, s0;
	[sflag:s19] =	ssyncadd.s32 $0xFFFFFFB0  }
0x67: {  	[tilespmem:s22], [sflag:$0x1] =	stream.linear.gather [hbm4b:s0+s28], $0x280, $0x38;
	[tilespmem:$0x19380] =	vst v63  }
0x68: {  	_ =	swait.ge [sflag:s19], $0x280  }
0x69: {  	[sflag:s19] =	ssyncset.done $0x0  }
0x6a: {  	s0 =	simm.s32 $0x0;
	[sflag:s19] =	ssyncadd.s32 $0xFFFFFD80  }
0x6b: {  	v2 =	vld [tilespmem:s0+$0x2880];
	_ =	sdelay $0x4  }
0x6c: {  	v2 =	vmul.f32 v1, v2  }
0x6d: {  	s30 =	simm.s32 $0x2B80  }
0x6e: {  	s31 =	simm.s32 $0x40;
	s0 =	simm.s32 $0x8;
	[tilespmem:s30+$0x0] =	vst v2  }
.LBB2_7:
0x6f: {  	p1 =	sne.s32 s31, $0x9E0;
	v2 =	vld [tilespmem:s0+$0x2880];
	_ =	sdelay $0x2  }
.Ltmp2:
0x70: {  	(pc) =	sbr.rel @p1 .LBB2_7-.Ltmp2, $4  }
0x71: {  	_ = 	snop  }
0x72: {  	v2 =	vmul.f32 v1, v2  }
0x73: {  	s30 =	sadd.s32 $0x80, s30  }
0x74: {  	s0 =	sshra.s32 s31, $0x2;
	s31 =	sadd.s32 $0x20, s31;
	[tilespmem:s30+$0x0] =	vst v2  }
0x75: {  	v2 =	vld [tilespmem:s0+$0x2880];
	_ =	sdelay $0x4  }
0x76: {  	s29 =	sadd.s32 $0x1, s29;
	v2 =	vmul.f32 v1, v2  }
0x77: {  	s31 =	sadd.s32 $0x80, s30;
	p1 =	sne.s32 s29, $0x7D  }
.Ltmp3:
0x78: {  	[tilespmem:s31+$0x0] =	vst v2;
	(pc) =	sbr.rel @p1 .LBB2_6-.Ltmp3, $4  }
0x79: {  	[spmem:s3] =	stream.indirect.scatter.add.f32 [tilespmem:s23], [sflag:$0x1], $0x80, s4, s21, $0xb8;
	[tilespmem:$0x19380] =	vst v63  }
0x7a: {  	_ =	swait.ge [sflag:s19], $0x2800  }
0x7b: {  	[sflag:s19] =	ssyncset.done $0x0  }
0x7c: {  	[sflag:s19] =	ssyncadd.s32 $0xFFFFD800  }
0x7d: {  	[bflag:$0x0] =	sbarrier.arrive $0xFFFF;
	s0 =	simm.s32 @p0 $0x1  }
0x7e: {  	[hbm:s14], [sflag:s9] =	dma.local @p0 [spmem:s25], $0x1900  }
0x7f: {  	s24 =	sadd.s32 $0x1, s24;
	_ =	swait.ge @p0 [sflag:s0], $0x1900  }
0x80: {  	p1 =	sne.s32 s24, s15;
	[sflag:s0] =	ssyncset.done @p0 $0x0  }
.Ltmp4:
0x81: {  	[sflag:s0] =	ssyncadd.s32 @p0 $0xFFFFE700;
	s0 =	simm.s32 @!p0 $0x1;
	(pc) =	sbr.rel @p1 .LBB2_1-.Ltmp4, $4  }
0x82: {  	[hbm:s13], [sflag:s9] =	dma.local @!p0 [spmem:s26], $0x2800  }
0x83: {  	_ =	swait.ge @!p0 [sflag:s0], $0x2800  }
0x84: {  	[sflag:s0] =	ssyncset.done @!p0 $0x0  }
0x85: {  	[sflag:s0] =	ssyncadd.s32 @!p0 $0xFFFFD800  }
0x86: {  	_ =	sfence.sel $0x180000  }
0x87: {  	[bflag:$0x0] =	sbarrier.arrive $0xFFFF  }
0x88: {  	_ =	strace $0x9000004D  }
0x89: {  	[bflag:$0x2] =	sbarrier.arrive $0xFFFF  }
0x8a: {  	p0 =	sne.s32 s2, $0x0;
	s0 =	rddreg [dreg:$0x3]  }
0x8b: {  	s0 =	sadd.s32 @!p0 $0x100000, s0  }
0x8c: {  	[sflag:s0] =	ssyncadd.tile.s32 @!p0 $0x1;
	_ =	shalt  }
.Lfunc_end2:
_tile_overlayer_lowered:
.L_overlay_start_2:
0x8d: {  	(tag) =	ssettag $0x2  }
0x8e: {  	s0 =	rddreg [dreg:$0x0];
	s2 =	stileid.u32  }
0x8f: {  	s1 =	rddreg [dreg:$0x1];
	p0 =	sne.s32 s2, $0x0  }
0x90: {  	s3 =	rddreg [dreg:$0x2];
	[bflag:$0x3] =	sbarrier.arrive $0xFFFF;
	s2 =	simm.s32 @!p0 $0x1C01  }
0x91: {  	[timem:s3], [sflag:s2] =	dma.local @!p0 [hbm:s0], s1  }
0x92: {  	s0 =	simm.s32 @!p0 $0x1  }
0x93: {  	_ =	swait.ge @!p0 [sflag:s0], s1  }
0x94: {  	s1 =	ssub.s32 @!p0 $0x0, s1;
	[sflag:s0] =	ssyncset.done @!p0 $0x0  }
0x95: {  	[sflag:s0] =	ssyncadd.s32 @!p0 s1  }
0x96: {  	[bflag:$0x3] =	sbarrier.arrive $0xFFFF  }
0x97: {  	_ =	shalt  }

// kernel: kernel.8.cloned.1.call-start
scs
__scs_entry_jumppad:
0x0: {  	(pc) =	sbr.rel $0x88, $3  }
0x1: {  	(tag) =	ssettag $0x0;
	lr =	simm.s32 $0x1  }
0x2: {  	[smem:$0x3F86] =	sst lr;
	_ =	strace $0xD0000000  }
0x3: {  	_ = 	snop  }
0x4: {  	_ = 	snop  }
0x5: {  	_ = 	snop  }
0x6: {  	_ = 	snop  }
0x7: {  	_ = 	snop  }
__scs_overlays_trampoline_lowered:
0x8: {  	[smem:$0x3F95] =	sst s0  }
0x9: {  	[smem:$0x3F96] =	sst s1  }
0xa: {  	[smem:$0x3F97] =	sst s2  }
0xb: {  	[smem:$0x3F98] =	sst s3  }
0xc: {  	[smem:$0x3F99] =	sst s4  }
0xd: {  	[smem:$0x3F9A] =	sst s5  }
0xe: {  	[smem:$0x3F9B] =	sst s6  }
0xf: {  	[smem:$0x3F9C] =	sst s7  }
0x10: {  	[smem:$0x3F9D] =	sst s8  }
0x11: {  	[smem:$0x3F9E] =	sst s9;
	s0 =	simm.s32 @!p0 $0x0  }
0x12: {  	s1 =	sld [smem:$0x3F84];
	s0 =	simm.s32 @p0 $0x1  }
0x13: {  	[smem:$0x3F9F] =	sst s0;
	s0 =	simm.s32 @!p1 $0x0  }
0x14: {  	s2 =	sld [smem:$0x3F83];
	s0 =	simm.s32 @p1 $0x1  }
0x15: {  	[smem:$0x3FA0] =	sst s0;
	s0 =	simm.s32 @!p2 $0x0  }
0x16: {  	s3 =	sld [smem:$0x3FDB];
	s0 =	simm.s32 @p2 $0x1  }
0x17: {  	s4 =	simm.s32 $0x1BF5;
	[smem:$0x3FA2] =	sst s0  }
0x18: {  	s0 =	sld [smem:$0x3F85];
	_ =	swait.ge [sflag:s4], $0x0  }
0x19: {  	s7 =	sld [smem:$0x3F86]  }
0x1a: {  	s8 =	sadd.s32 $0xFFFFE003, lr  }
0x1b: {  	s9 =	sadd.s32 $0xFFFFFEF7, lr;
	s5 =	simm.s32 $0xFFFFFFFF;
	p2 =	slt.u32 s8, $0xFFFFF086  }
0x1c: {  	p1 =	slt.u32 s9, $0xF7A;
	s5 =	simm.s32 @!p2 $0x0  }
0x1d: {  	s5 =	simm.s32 @p1 $0x1;
	p0 =	seq.s32 s7, s2  }
0x1e: {  	s7 =	smul.u32 @!p0 $0xF7A, s2;
	p2 =	seq.s32 @!p0 s5, $0x0  }
0x1f: {  	s9 =	smul.u32 $0xF7A, s1;
	s8 =	simm.s32 @!p0 $0x1BF5;
	p2 =	por !p2, p0  }
0x20: {  	[sflag:s8] =	ssyncset.s32 @!p0 $0xFFFFF086;
	s6 =	sadd.s32 @!p0 s3, s7;
	s7 =	simm.s32 @!p0 $0x108  }
0x21: {  	s3 =	sadd.s32 s3, s9;
	s6 =	sadd.s32 @!p0 $0x88, s6;
	s7 =	simm.s32 @p2 $0x1082  }
0x22: {  	[simem:s7], [sflag:s8] =	dma.local @!p0 [hbm:s6], $0xF7A  }
0x23: {  	s9 =	sor.u32 $0xD0000000, s2;
	s6 =	simm.s32 $0x108;
	_ =	swait.ge @!p0 [sflag:s8], $0x0  }
0x24: {  	s3 =	sadd.s32 $0x88, s3;
	s6 =	simm.s32 @!p1 $0x1082;
	[sflag:s4] =	ssyncset.s32 $0xFFFFF086  }
0x25: {  	[simem:s6], [sflag:s4] =	dma.local [hbm:s3], $0xF7A  }
0x26: {  	[smem:$0x3F86] =	sst s1;
	(tag) =	ssettag s2;
	_ =	strace s9  }
0x27: {  	s1 =	sld [smem:$0x3F96]  }
0x28: {  	s2 =	sld [smem:$0x3F97]  }
0x29: {  	s4 =	sld [smem:$0x3F99]  }
0x2a: {  	p0 =	seq.s32 s5, $0x0;
	s5 =	sld [smem:$0x3F9A]  }
0x2b: {  	s6 =	sld [smem:$0x3F9B]  }
0x2c: {  	s7 =	sld [smem:$0x3F9C]  }
0x2d: {  	s3 =	simm.s32 $0x108;
	s8 =	sld [smem:$0x3F9D]  }
0x2e: {  	s3 =	simm.s32 @!p0 $0x1082;
	s9 =	sld [smem:$0x3F9E]  }
0x2f: {  	lr =	sadd.s32 s0, s3;
	s0 =	sld [smem:$0x3F95]  }
0x30: {  	s3 =	sld [smem:$0x3F98]  }
0x31: {  	[smem:$0x3FA1] =	sst s10  }
0x32: {  	s10 =	sld [smem:$0x3F9F];
	_ =	sdelay $0x3  }
0x33: {  	p0 =	seq.s32 s10, $0x1;
	s10 =	sld [smem:$0x3FA1];
	_ =	sdelay $0x3  }
0x34: {  	[smem:$0x3FA1] =	sst s10  }
0x35: {  	s10 =	sld [smem:$0x3FA0];
	_ =	sdelay $0x3  }
0x36: {  	p1 =	seq.s32 s10, $0x1;
	s10 =	sld [smem:$0x3FA1];
	_ =	sdelay $0x3  }
0x37: {  	[smem:$0x3FA1] =	sst s10  }
0x38: {  	s10 =	sld [smem:$0x3FA2]  }
0x39: {  	_ = 	snop;
	(pc) =	sbr.ind lr, $3  }
0x3a: {  	_ = 	snop  }
0x3b: {  	_ = 	snop  }
0x3c: {  	p2 =	seq.s32 s10, $0x1;
	s10 =	sld [smem:$0x3FA1]  }
0x3d: {  	_ =	shalt  }
0x3e: {  	_ =	shalt  }
0x3f: {  	_ =	shalt  }
0x40: {  	_ =	shalt  }
0x41: {  	_ =	shalt  }
0x42: {  	_ =	shalt  }
0x43: {  	_ =	shalt  }
0x44: {  	_ =	shalt  }
0x45: {  	_ =	shalt  }
0x46: {  	_ =	shalt  }
0x47: {  	_ =	shalt  }
0x48: {  	_ =	shalt  }
0x49: {  	_ =	shalt  }
0x4a: {  	_ =	shalt  }
0x4b: {  	_ =	shalt  }
0x4c: {  	_ =	shalt  }
0x4d: {  	_ =	shalt  }
0x4e: {  	_ =	shalt  }
0x4f: {  	_ =	shalt  }
0x50: {  	_ =	shalt  }
0x51: {  	_ =	shalt  }
0x52: {  	_ =	shalt  }
0x53: {  	_ =	shalt  }
0x54: {  	_ =	shalt  }
0x55: {  	_ =	shalt  }
0x56: {  	_ =	shalt  }
0x57: {  	_ =	shalt  }
0x58: {  	_ =	shalt  }
0x59: {  	_ =	shalt  }
0x5a: {  	_ =	shalt  }
0x5b: {  	_ =	shalt  }
0x5c: {  	_ =	shalt  }
0x5d: {  	_ =	shalt  }
0x5e: {  	_ =	shalt  }
0x5f: {  	_ =	shalt  }
0x60: {  	_ =	shalt  }
0x61: {  	_ =	shalt  }
0x62: {  	_ =	shalt  }
0x63: {  	_ =	shalt  }
0x64: {  	_ =	shalt  }
0x65: {  	_ =	shalt  }
0x66: {  	_ =	shalt  }
0x67: {  	_ =	shalt  }
0x68: {  	_ =	shalt  }
0x69: {  	_ =	shalt  }
0x6a: {  	_ =	shalt  }
0x6b: {  	_ =	shalt  }
0x6c: {  	_ =	shalt  }
0x6d: {  	_ =	shalt  }
0x6e: {  	_ =	shalt  }
0x6f: {  	_ =	shalt  }
0x70: {  	_ =	shalt  }
0x71: {  	_ =	shalt  }
0x72: {  	_ =	shalt  }
0x73: {  	_ =	shalt  }
0x74: {  	_ =	shalt  }
0x75: {  	_ =	shalt  }
0x76: {  	_ =	shalt  }
0x77: {  	_ =	shalt  }
0x78: {  	_ =	shalt  }
0x79: {  	_ =	shalt  }
0x7a: {  	_ =	shalt  }
0x7b: {  	_ =	shalt  }
0x7c: {  	_ =	shalt  }
0x7d: {  	_ =	shalt  }
0x7e: {  	_ =	shalt  }
0x7f: {  	_ =	shalt  }
0x80: {  	_ =	shalt  }
0x81: {  	_ =	shalt  }
0x82: {  	_ =	shalt  }
0x83: {  	_ =	shalt  }
0x84: {  	_ =	shalt  }
0x85: {  	_ =	shalt  }
0x86: {  	_ =	shalt  }
0x87: {  	_ =	shalt  }
.Lfunc_end0:
.L_simem_size_0:
called_computation_lowered:
.L_overlay_start_0:
0x88: {  	s2 =	sld [smem:$0x3FD9]  }
0x89: {  	s3 =	sld [smem:$0x3FFE];
	_ =	sdelay $0x1  }
0x8a: {  	s1 =	srdreg.scid  }
0x8b: {  	s0 =	sand.u32 $0x1, s1  }
0x8c: {  	s17 =	sshll.u32 s0, $0xA;
	s2 =	sadd.s32 s3, s2  }
0x8d: {  	s2 =	sadd.s32 s2, s17  }
0x8e: {  	[smem:$0x3FAD] =	sst s2  }
0x8f: {  	_ = 	snop  }
0x90: {  	s2 =	sld [smem:$0x3FC9];
	(tm) =	ssettm $0x1  }
0x91: {  	s18 =	sld [smem:$0x3FFB];
	_ =	sdelay $0x3  }
0x92: {  	_ =	strace s18  }
0x93: {  	s3 =	sld [smem:$0x3FFC];
	_ =	sdelay $0x3  }
0x94: {  	_ =	strace s3  }
0x95: {  	s3 =	sld [smem:$0x3FFD];
	_ =	sdelay $0x3  }
0x96: {  	_ =	strace s3  }
0x97: {  	_ =	strace $0x8FFFFFFF  }
0x98: {  	s19 =	sld [smem:$0x3FDB];
	_ =	sdelay $0x1  }
0x99: {  	s4 =	simm.s32 $_scs_section_size  }
0x9a: {  	s5 =	simm.s32 $_size__tile_overlayer_lowered;
	s6 =	simm.s32 $_tile_overlayer_lowered  }
0x9b: {  	s22 =	simm.s32 $0x1BFF;
	s21 =	sshll.u32 s6, $0x1;
	s3 =	sadd.s32 s4, s19  }
0x9c: {  	s7 =	simm.s32 $0x0;
	s20 =	sshll.u32 s5, $0x1;
	s5 =	sadd.s32 s21, s3  }
0x9d: {  	[timem:s7], [sflag:s22] =	dma.local [hbm:s5], s20  }
0x9e: {  	_ =	swait.ge [sflag:s22], s20  }
0x9f: {  	s4 =	ssub.s32 $0x0, s20;
	[sflag:s22] =	ssyncset.done $0x0  }
0xa0: {  	[sflag:s22] =	ssyncadd.s32 s4;
	_ =	sdelay $0x1  }
0xa1: {  	s23 =	simm.s32 $0x1B8B  }
0xa2: {  	_ =	swait.ge [sflag:s23], $0x1  }
0xa3: {  	[sflag:s23] =	ssyncset.done $0x0  }
0xa4: {  	s25 =	simm.s32 $0x1B8E;
	s24 =	sld [smem:$0x3FFE];
	[sflag:s23] =	ssyncadd.s32 $0xFFFFFFFF  }
0xa5: {  	s26 =	simm.s32 $execute0_lowered;
	[smem:$0x3FD2] =	sst s25  }
0xa6: {  	s5 =	sshll.u32 s26, $0x1;
	_ =	strace $0x80000046;
	[dreg:$0x1] =	wrdreg $0xFFFFFFFF  }
0xa7: {  	s28 =	simm.s32 $_size_execute0_lowered;
	s3 =	sadd.s32 s3, s5;
	[dreg:$0x0] =	wrdreg $0x0  }
0xa8: {  	s5 =	sshll.u32 s28, $0x1;
	[dreg:$0x2] =	wrdreg s3  }
0xa9: {  	[dreg:$0x3] =	wrdreg s5  }
0xaa: {  	[dreg:$0x4] =	wrdreg $0xC0  }
0xab: {  	_ =	task [dreg:s7], $0x5FFFF  }
0xac: {  	[dreg:$0x1] =	wrdreg $0xFFFFFFFF  }
0xad: {  	[dreg:$0x0] =	wrdreg $0x60  }
0xae: {  	[dreg:$0x2] =	wrdreg s2  }
0xaf: {  	[dreg:$0x3] =	wrdreg s24  }
0xb0: {  	[dreg:$0x4] =	wrdreg $0x28800  }
0xb1: {  	[dreg:$0x5] =	wrdreg $0x9  }
0xb2: {  	_ =	task.clear_ibuf [dreg:s7], $0x6FFFF;
	_ =	strace $0x90000046  }
0xb3: {  	s29 =	simm.s32 $0x9;
	_ =	strace $0x80000048  }
0xb4: {  	_ =	swait.ge [sflag:s29], $0x1  }
0xb5: {  	[sflag:s29] =	ssyncadd.s32 $0xFFFFFFFF  }
0xb6: {  	_ =	strace $0x90000048  }
0xb7: {  	_ =	sfence  }
0xb8: {  	s30 =	sld [smem:$0x0];
	_ =	sdelay $0x2  }
0xb9: {  	s31 =	sshll.u32 s1, $0xD;
	s1 =	sshrl.u32 s1, $0x2  }
0xba: {  	s3 =	sand.u32 $0x4000, s31;
	s1 =	sadd.s32 s1, s30  }
0xbb: {  	s0 =	sor.u32 s3, s0;
	s1 =	sshll.u32 s1, $0x11  }
0xbc: {  	s0 =	sor.u32 s1, s0  }
0xbd: {  	s0 =	sadd.s32 $0x8F2B, s0  }
0xbe: {  	[sflag:s0] =	ssyncadd.remote.s32 $0x1  }
0xbf: {  	_ =	sfence.sel $0xFFFF  }
0xc0: {  	[dreg:$0x0] =	wrdreg $0xFFFFFFFF;
	(pc) =	sbr.abs _section_cstart, $3  }
0xc1: {  	[dreg:$0x1] =	wrdreg $0xFFFFFFFF  }
0xc2: {  	_ =	task.clear_ibuf [dreg:s7], $0x2FFFF;
	_ =	strace $0x9FFFFFFF  }
0xc3: {  	(tm) =	ssettm $0x7FFFFFFF  }
tec
execute0_lowered:
.L_overlay_start_1:
0x0: {  	(tag) =	ssettag $0x1  }
0x1: {  	s5 =	rddreg [dreg:$0x0]  }
0x2: {  	s1 =	srdreg.scid;
	s7 =	rddreg [dreg:$0x1]  }
0x3: {  	s0 =	stileid.u32;
	s2 =	rddreg [dreg:$0x2]  }
0x4: {  	s3 =	simm.s32 $0x0;
	s14 =	simm.s32 $0x2;
	s6 =	smul.u32 $0x4E20, s0  }
0x5: {  	s15 =	simm.s32 $0x50;
	s16 =	simm.s32 $0x80;
	s28 =	smul.u32 $0x4E200, s0  }
0x6: {  	s17 =	simm.s32 $0x1;
	s18 =	simm.s32 $0x0;
	s29 =	smul.u32 $0x50000, s0  }
0x7: {  	s4 =	sand.u32 $0x1, s1;
	s1 =	rddreg [dreg:$0x3];
	s9 =	smul.u32 $0x2800, s0  }
0x8: {  	[smem:$0x7FF] =	sst s3;
	p0 =	seq.s32 s0, $0xF;
	s8 =	smul.u32 $0x2710, s4  }
0x9: {  	_ =	strace $0x80000047;
	s30 =	ssub.s32 $0x2, s4;
	s12 =	smul.u32 $0x27100, s4  }
0xa: {  	s11 =	sshrl.u32 s30, $0x1;
	s4 =	sadd.s32 s5, s9;
	s6 =	sadd.s32 s8, s6  }
0xb: {  	s5 =	sadd.s32 $0x25800, s5;
	s8 =	ssub.s32 s30, s11;
	s6 =	sshrl.u32 s6, $0x3  }
0xc: {  	s11 =	sadd.s32 $0x12C000, s2;
	s10 =	sadd.s32 s6, s7;
	s6 =	sshrl.u32 s29, $0x2  }
0xd: {  	s11 =	sshrl.u32 @p0 s11, $0x3;
	s7 =	sadd.s32 s28, s7;
	s13 =	sadd.s32 s6, s2  }
0xe: {  	s31 =	sadd.s32 s12, s7;
	s6 =	smax.u32 s8, $0x1;
	s8 =	sadd.s32 $0xEA00, s10  }
0xf: {  	s12 =	sshll.u32 @!p0 s0, $0x6;
	s10 =	sadd.s32 $0x4C00, s10;
	s7 =	sadd.s32 $0x18800, s31  }
0x10: {  	s9 =	sadd.s32 $0x4FA800, s31;
	s12 =	sor.u32 @!p0 $0x1C02, s12;
	s13 =	sshrl.u32 @!p0 s13, $0x3  }
.LBB2_1:
0x11: {  	s19 =	simm.s32 @p0 $0x1FC2  }
0x12: {  	[spmem:s11], [sflag:s19] =	dma.local @p0 [hbm:s5], $0x1900  }
0x13: {  	s19 =	simm.s32 @p0 $0x2  }
0x14: {  	_ =	swait.ge @p0 [sflag:s19], $0x1900  }
0x15: {  	[sflag:s19] =	ssyncset.done @p0 $0x0  }
0x16: {  	[sflag:s19] =	ssyncadd.s32 @p0 $0xFFFFE700;
	s19 =	simm.s32 @!p0 $0x2  }
0x17: {  	[spmem:s13], [sflag:s12] =	dma.local @!p0 [hbm:s4], $0x2800  }
0x18: {  	_ =	swait.ge @!p0 [sflag:s19], $0x2800  }
0x19: {  	[sflag:s19] =	ssyncset.done @!p0 $0x0  }
0x1a: {  	[sflag:s19] =	ssyncadd.s32 @!p0 $0xFFFFD800  }
0x1b: {  	s31 =	sadd.s32 $0x0, s8;
	[bflag:$0x0] =	sbarrier.arrive $0xFFFF  }
0x1c: {  	[tilespmem:s3], [sflag:$0x2] =	stream.linear.gather [hbm4b:s31+s3], $0x50, $0x38;
	[tilespmem:$0x16880] =	vst v63  }
0x1d: {  	_ =	swait.ge [sflag:s14], $0x50  }
0x1e: {  	[sflag:s14] =	ssyncset.done $0x0  }
0x1f: {  	[sflag:s14] =	ssyncadd.s32 $0xFFFFFFB0  }
0x20: {  	[tilespmem:s16], [sflag:$0x1] =	stream.indirect.gather [spmem:s2], $0x80, s3, s15, $0xb8;
	[tilespmem:$0x16880] =	vst v63  }
0x21: {  	_ =	swait.ge [sflag:s17], $0x2800  }
0x22: {  	[sflag:s17] =	ssyncset.done $0x0  }
0x23: {  	[sflag:s17] =	ssyncadd.s32 $0xFFFFD800  }
0x24: {  	[hbm4b:s7+s3] =	stream.linear.scatter [tilespmem:s16], [sflag:$0x2], $0x2800, $0x38;
	[tilespmem:$0x16880] =	vst v63  }
0x25: {  	s22 =	sadd.s32 $0xA, s8;
	_ =	swait.ge [sflag:s14], $0x2800  }
0x26: {  	s20 =	simm.s32 $0x14;
	s19 =	sadd.s32 $0x500, s7;
	[sflag:s14] =	ssyncset.done $0x0  }
.LBB2_2:
0x27: {  	s23 =	sadd.s32 s20, s8;
	s21 =	simm.s32 $0x0;
	[sflag:s14] =	ssyncadd.s32 $0xFFFFD800  }
0x28: {  	[tilespmem:s21], [sflag:$0x2] =	stream.linear.gather [hbm4b:s22+s21], $0x50, $0x38;
	[tilespmem:$0x16880] =	vst v63  }
0x29: {  	p1 =	sne.s32 s20, $0x4D8;
	s20 =	sadd.s32 $0xA, s20;
	_ =	swait.ge [sflag:s14], $0x50  }
0x2a: {  	s22 =	smov.u32 s23;
	[sflag:s14] =	ssyncset.done $0x0  }
0x2b: {  	[sflag:s14] =	ssyncadd.s32 $0xFFFFFFB0  }
0x2c: {  	[tilespmem:s16], [sflag:$0x1] =	stream.indirect.gather [spmem:s2], $0x80, s21, s15, $0xb8;
	[tilespmem:$0x16880] =	vst v63  }
0x2d: {  	_ =	swait.ge [sflag:s17], $0x2800  }
.Ltmp0:
0x2e: {  	[sflag:s17] =	ssyncset.done $0x0;
	(pc) =	sbr.rel @p1 .LBB2_2-.Ltmp0, $4  }
0x2f: {  	[sflag:s17] =	ssyncadd.s32 $0xFFFFD800  }
0x30: {  	[hbm4b:s19+s21] =	stream.linear.scatter [tilespmem:s16], [sflag:$0x2], $0x2800, $0x38;
	[tilespmem:$0x16880] =	vst v63  }
0x31: {  	_ =	swait.ge [sflag:s14], $0x2800  }
0x32: {  	s19 =	sadd.s32 $0x500, s19;
	[sflag:s14] =	ssyncset.done $0x0  }
0x33: {  	[sflag:s14] =	ssyncadd.s32 $0xFFFFD800  }
0x34: {  	[tilespmem:s21], [sflag:$0x2] =	stream.linear.gather [hbm4b:s22+s21], $0x50, $0x38;
	[tilespmem:$0x16880] =	vst v63  }
0x35: {  	_ =	swait.ge [sflag:s14], $0x50  }
0x36: {  	[sflag:s14] =	ssyncset.done $0x0  }
0x37: {  	[sflag:s14] =	ssyncadd.s32 $0xFFFFFFB0  }
0x38: {  	[tilespmem:s16], [sflag:$0x1] =	stream.indirect.gather [spmem:s2], $0x80, s21, s15, $0xb8;
	[tilespmem:$0x16880] =	vst v63  }
0x39: {  	_ =	swait.ge [sflag:s17], $0x2800  }
0x3a: {  	p2 =	por $0x1, $0x1;
	[sflag:s17] =	ssyncset.done $0x0  }
.Ltmp1:
0x3b: {  	[sflag:s17] =	ssyncadd.s32 $0xFFFFD800;
	(pc) =	sbr.rel @!p2 .LBB2_8-.Ltmp1, $4  }
0x3c: {  	[hbm4b:s19+s21] =	stream.linear.scatter [tilespmem:s16], [sflag:$0x2], $0x2800, $0x38;
	[tilespmem:$0x16880] =	vst v63  }
0x3d: {  	_ =	swait.ge [sflag:s14], $0x2800  }
0x3e: {  	p1 =	por $0x0, $0x0;
	[sflag:s14] =	ssyncset.done $0x0  }
0x3f: {  	s20 =	smov.u32 s9;
	s19 =	simm.s32 $0xA;
	[sflag:s14] =	ssyncadd.s32 $0xFFFFD800  }
0x40: {  	s20 =	sadd.s32 $0x0, s10  }
0x41: {  	[tilespmem:s3], [sflag:$0x2] =	stream.linear.gather [hbm4b:s20+s3], $0x50, $0x38;
	[tilespmem:$0x16880] =	vst v63  }
0x42: {  	_ =	swait.ge [sflag:s14], $0x50  }
0x43: {  	[sflag:s14] =	ssyncset.done $0x0  }
0x44: {  	[sflag:s14] =	ssyncadd.s32 $0xFFFFFFB0  }
0x45: {  	[tilespmem:s16], [sflag:$0x1] =	stream.indirect.gather [spmem:s2], $0x80, s3, s15, $0xb8;
	[tilespmem:$0x16880] =	vst v63  }
0x46: {  	p2 =	por $0x1, $0x1;
	_ =	swait.ge [sflag:s17], $0x2800  }
.Ltmp2:
0x47: {  	[sflag:s17] =	ssyncset.done $0x0;
	(pc) =	sbr.rel @!p2 .LBB2_5-.Ltmp2, $4  }
0x48: {  	[sflag:s17] =	ssyncadd.s32 $0xFFFFD800  }
0x49: {  	[hbm4b:s9+s3] =	stream.linear.scatter [tilespmem:s16], [sflag:$0x2], $0x2800, $0x38;
	[tilespmem:$0x16880] =	vst v63  }
0x4a: {  	s21 =	simm.s32 $0x14;
	_ =	swait.ge [sflag:s14], $0x2800  }
0x4b: {  	p1 =	por $0x1, $0x1;
	s20 =	sadd.s32 $0x500, s9;
	[sflag:s14] =	ssyncset.done $0x0  }
.LBB2_6:
0x4c: {  	s22 =	sadd.s32 s19, s10  }
0x4d: {  	[sflag:s14] =	ssyncadd.s32 $0xFFFFD800;
	s19 =	smov.u32 s21;
	s23 =	sadd.s32 $0xA, s21  }
0x4e: {  	[tilespmem:s3], [sflag:$0x2] =	stream.linear.gather [hbm4b:s22+s3], $0x50, $0x38;
	[tilespmem:$0x16880] =	vst v63  }
0x4f: {  	p2 =	sne.s32 s21, $0x4D8;
	_ =	swait.ge [sflag:s14], $0x50  }
0x50: {  	[sflag:s14] =	ssyncset.done $0x0  }
0x51: {  	[sflag:s14] =	ssyncadd.s32 $0xFFFFFFB0  }
0x52: {  	[tilespmem:s16], [sflag:$0x1] =	stream.indirect.gather [spmem:s2], $0x80, s3, s15, $0xb8;
	[tilespmem:$0x16880] =	vst v63  }
0x53: {  	_ =	swait.ge [sflag:s17], $0x2800  }
.Ltmp3:
0x54: {  	[sflag:s17] =	ssyncset.done $0x0;
	(pc) =	sbr.rel @p2 .LBB2_6-.Ltmp3, $4  }
0x55: {  	[sflag:s17] =	ssyncadd.s32 $0xFFFFD800  }
0x56: {  	[hbm4b:s20+s3] =	stream.linear.scatter [tilespmem:s16], [sflag:$0x2], $0x2800, $0x38;
	[tilespmem:$0x16880] =	vst v63  }
0x57: {  	_ =	swait.ge [sflag:s14], $0x2800  }
0x58: {  	s21 =	smov.u32 s23;
	s20 =	sadd.s32 $0x500, s20;
	[sflag:s14] =	ssyncset.done $0x0  }
0x59: {  	s21 =	smov.u32 s19  }
.LBB2_8:
0x5a: {  	s19 =	sadd.s32 s21, s10;
	[sflag:s14] =	ssyncadd.s32 @p1 $0xFFFFD800  }
0x5b: {  	[tilespmem:s3], [sflag:$0x2] =	stream.linear.gather [hbm4b:s19+s3], $0x50, $0x38;
	[tilespmem:$0x16880] =	vst v63  }
0x5c: {  	_ =	swait.ge [sflag:s14], $0x50  }
0x5d: {  	[sflag:s14] =	ssyncset.done $0x0  }
0x5e: {  	[sflag:s14] =	ssyncadd.s32 $0xFFFFFFB0  }
0x5f: {  	[tilespmem:s16], [sflag:$0x1] =	stream.indirect.gather [spmem:s2], $0x80, s3, s15, $0xb8;
	[tilespmem:$0x16880] =	vst v63  }
0x60: {  	_ =	swait.ge [sflag:s17], $0x2800  }
0x61: {  	s18 =	sadd.s32 $0x1, s18;
	[sflag:s17] =	ssyncset.done $0x0  }
0x62: {  	p1 =	sne.s32 s18, s6;
	[sflag:s17] =	ssyncadd.s32 $0xFFFFD800  }
0x63: {  	[hbm4b:s20+s3] =	stream.linear.scatter [tilespmem:s16], [sflag:$0x2], $0x2800, $0x38;
	[tilespmem:$0x16880] =	vst v63  }
.Ltmp4:
0x64: {  	_ = 	snop;
	(pc) =	sbr.rel @p1 .LBB2_1-.Ltmp4, $4  }
.Ltmp5:
0x65: {  	_ = 	snop;
	(pc) =	sbr.rel @!p1 .LBB2_9-.Ltmp5, $4  }
0x66: {  	_ =	swait.ge [sflag:s14], $0x2800  }
0x67: {  	[sflag:s14] =	ssyncset.done $0x0  }
0x68: {  	[sflag:s14] =	ssyncadd.s32 $0xFFFFD800  }
0x69: {  	_ = 	snop  }
.LBB2_5:
.Ltmp6:
0x6a: {  	(pc) =	sbr.rel .LBB2_8-.Ltmp6, $2  }
0x6b: {  	_ =	sdelay $0x2  }
0x6c: {  	s21 =	simm.s32 $0xA  }
.LBB2_9:
0x6d: {  	_ =	sfence.sel $0x180000  }
0x6e: {  	[bflag:$0x0] =	sbarrier.arrive $0xFFFF  }
0x6f: {  	p0 =	sne.s32 s0, $0x0;
	_ =	strace $0x90000047  }
0x70: {  	s0 =	sadd.s32 @!p0 $0x100000, s1;
	[bflag:$0x2] =	sbarrier.arrive $0xFFFF  }
0x71: {  	[sflag:s0] =	ssyncadd.tile.s32 @!p0 $0x1;
	_ =	shalt  }
.Lfunc_end2:
_tile_overlayer_lowered:
.L_overlay_start_2:
0x72: {  	(tag) =	ssettag $0x2  }
0x73: {  	s0 =	rddreg [dreg:$0x0];
	s2 =	stileid.u32  }
0x74: {  	s1 =	rddreg [dreg:$0x1];
	p0 =	sne.s32 s2, $0x0  }
0x75: {  	s3 =	rddreg [dreg:$0x2];
	[bflag:$0x3] =	sbarrier.arrive $0xFFFF;
	s2 =	simm.s32 @!p0 $0x1C02  }
0x76: {  	[timem:s3], [sflag:s2] =	dma.local @!p0 [hbm:s0], s1  }
0x77: {  	s0 =	simm.s32 @!p0 $0x2  }
0x78: {  	_ =	swait.ge @!p0 [sflag:s0], s1  }
0x79: {  	s1 =	ssub.s32 @!p0 $0x0, s1;
	[sflag:s0] =	ssyncset.done @!p0 $0x0  }
0x7a: {  	[sflag:s0] =	ssyncadd.s32 @!p0 s1  }
0x7b: {  	[bflag:$0x3] =	sbarrier.arrive $0xFFFF  }
0x7c: {  	_ =	shalt  }

</sc_bundles>
